<compile_context>
chip_gen: v7x
topology: tpu7x:2x2x1
jax: 0.10.2.dev20260603
libtpu: 0.0.44.dev20260713+nightly
codegen_flags: <defaults>
</compile_context>

<pallas_src>
import functools

import jax
import jax.numpy as jnp
from jax import lax
from jax.experimental import pallas as pl
from jax.experimental.pallas import tpu as pltpu
from jax.experimental.pallas import tpu_sc as plsc

N_NODES = 10000
FEATS = 128
NC = 2
NS = 16
NW = NC * NS
LANES = 16
CHUNK = 128
N_PAD = 10240
ROWS_PER_TILE = N_PAD // NS
ROW_COPIES = ROWS_PER_TILE // CHUNK

_MESH = plsc.VectorSubcoreMesh(core_axis_name="c", subcore_axis_name="s")


def _make_deg_kernel(e_pad):
    cpt = e_pad // (NS * CHUNK)

    @functools.partial(
        pl.kernel,
        out_type=jax.ShapeDtypeStruct((NC, N_PAD, FEATS), jnp.float32),
        mesh=_MESH,
        scratch_types=[
            pltpu.VMEM((CHUNK,), jnp.int32),
            pltpu.VMEM((CHUNK, FEATS), jnp.float32),
            pltpu.VMEM((CHUNK, FEATS), jnp.float32),
            pltpu.VMEM_SHARED((N_PAD, FEATS), jnp.float32),
        ],
    )
    def deg_kernel(src_hbm, dst_hbm, ones_hbm, zeros_hbm, out_hbm,
                   idx_v, ones_v, stage_v, acc_sp):
        c = lax.axis_index("c")
        s = lax.axis_index("s")
        row0 = s * ROWS_PER_TILE

        pltpu.sync_copy(ones_hbm, ones_v)
        pltpu.sync_copy(zeros_hbm, stage_v)
        for k in range(ROW_COPIES):
            pltpu.sync_copy(stage_v, acc_sp.at[pl.ds(row0 + k * CHUNK, CHUNK)])
        plsc.subcore_barrier()

        base = s * cpt * CHUNK

        def count(idx_hbm):
            def body(k, _):
                e0 = pl.multiple_of(base + k * CHUNK, CHUNK)
                pltpu.sync_copy(idx_hbm.at[pl.ds(e0, CHUNK)], idx_v)
                pltpu.sync_copy(ones_v, acc_sp.at[idx_v], add=True)
                return 0
            lax.fori_loop(0, cpt, body, 0)

        @pl.when(c == 0)
        def _():
            count(src_hbm)

        @pl.when(c == 1)
        def _():
            count(dst_hbm)

        plsc.subcore_barrier()
        for k in range(ROW_COPIES):
            r = row0 + k * CHUNK
            pltpu.sync_copy(acc_sp.at[pl.ds(r, CHUNK)], stage_v)
            pltpu.sync_copy(stage_v, out_hbm.at[c, pl.ds(r, CHUNK)])

    return deg_kernel


def _make_agg_kernel(e_pad):
    cpt = e_pad // (NW * CHUNK)

    @functools.partial(
        pl.kernel,
        out_type=jax.ShapeDtypeStruct((NC, N_PAD, FEATS), jnp.float32),
        mesh=_MESH,
        scratch_types=[
            pltpu.VMEM((CHUNK,), jnp.int32),
            pltpu.VMEM((CHUNK,), jnp.int32),
            pltpu.VMEM((CHUNK, FEATS), jnp.float32),
            pltpu.VMEM_SHARED((N_PAD, FEATS), jnp.float32),
            pltpu.SemaphoreType.DMA,
        ],
    )
    def agg_kernel(h_hbm, src_hbm, dst_hbm, zeros_hbm, out_hbm,
                   sidx_v, didx_v, rows_v, acc_sp, sem):
        c = lax.axis_index("c")
        s = lax.axis_index("s")
        row0 = s * ROWS_PER_TILE

        pltpu.sync_copy(zeros_hbm, rows_v)
        for k in range(ROW_COPIES):
            pltpu.sync_copy(rows_v, acc_sp.at[pl.ds(row0 + k * CHUNK, CHUNK)])
        plsc.subcore_barrier()

        wid = s * NC + c
        base = wid * cpt * CHUNK

        def body(k, _):
            e0 = pl.multiple_of(base + k * CHUNK, CHUNK)
            pltpu.sync_copy(src_hbm.at[pl.ds(e0, CHUNK)], sidx_v)
            pltpu.sync_copy(dst_hbm.at[pl.ds(e0, CHUNK)], didx_v)
            pltpu.async_copy(h_hbm.at[sidx_v], rows_v, sem).wait()
            pltpu.sync_copy(rows_v, acc_sp.at[didx_v], add=True)
            return 0

        lax.fori_loop(0, cpt, body, 0)
        plsc.subcore_barrier()

        for k in range(ROW_COPIES):
            r = row0 + k * CHUNK
            pltpu.sync_copy(acc_sp.at[pl.ds(r, CHUNK)], rows_v)
            pltpu.sync_copy(rows_v, out_hbm.at[c, pl.ds(r, CHUNK)])

    return agg_kernel


_BLK = 256
_GRID = N_PAD // _BLK


def _norm_src(deg_ref):
    return lax.rsqrt(jnp.maximum(deg_ref[0, :, :1], 1.0))


def _norm_dst(deg_ref):
    return lax.rsqrt(jnp.maximum(deg_ref[1, :, :1], 1.0))


def _prep_body(f_ref, m_ref, deg_ref, o_ref):
    o_ref[...] = f_ref[...] * m_ref[...] * _norm_src(deg_ref)


def _layer1_body(agg_ref, deg_ref, w_ref, b_ref, o_ref):
    agg = (agg_ref[0] + agg_ref[1]) * _norm_dst(deg_ref)
    z = jnp.dot(agg, w_ref[...], preferred_element_type=jnp.float32)
    h = jnp.maximum(z + b_ref[...], 0.0) * _norm_src(deg_ref)
    i = pl.program_id(0)
    row = i * _BLK + lax.broadcasted_iota(jnp.int32, (_BLK, 1), 0)
    o_ref[...] = jnp.where(row < N_NODES, h, 0.0)


def _layer2_body(agg_ref, deg_ref, w_ref, b_ref, o_ref):
    agg = (agg_ref[0] + agg_ref[1]) * _norm_dst(deg_ref)
    z = jnp.dot(agg, w_ref[...], preferred_element_type=jnp.float32)
    o_ref[...] = z + b_ref[...]


_row_spec = pl.BlockSpec((_BLK, FEATS), lambda i: (i, 0))
_part_spec = pl.BlockSpec((NC, _BLK, FEATS), lambda i: (0, i, 0))
_w_spec = pl.BlockSpec((FEATS, FEATS), lambda i: (0, 0))
_b_spec = pl.BlockSpec((FEATS,), lambda i: (0,))
_out_shape = jax.ShapeDtypeStruct((N_PAD, FEATS), jnp.float32)


def _prep_call(f_p, m_p, deg):
    return pl.pallas_call(
        _prep_body,
        grid=(_GRID,),
        in_specs=[_row_spec, _row_spec, _part_spec],
        out_specs=_row_spec,
        out_shape=_out_shape,
    )(f_p, m_p, deg)


def _layer1_call(agg, deg, w, b):
    return pl.pallas_call(
        _layer1_body,
        grid=(_GRID,),
        in_specs=[_part_spec, _part_spec, _w_spec, _b_spec],
        out_specs=_row_spec,
        out_shape=_out_shape,
    )(agg, deg, w, b)


def _layer2_call(agg, deg, w, b):
    return pl.pallas_call(
        _layer2_body,
        grid=(_GRID,),
        in_specs=[_part_spec, _part_spec, _w_spec, _b_spec],
        out_specs=_row_spec,
        out_shape=_out_shape,
    )(agg, deg, w, b)


def kernel(features, mask, edge_index, W1, b1, W2, b2):
    n = features.shape[0]
    src = edge_index[0].astype(jnp.int32)
    dst = edge_index[1].astype(jnp.int32)
    e = src.shape[0]
    e_pad = -(-e // (NW * CHUNK)) * (NW * CHUNK)
    pad = jnp.full((e_pad - e,), n, dtype=jnp.int32)
    src_p = jnp.concatenate([src, pad])
    dst_p = jnp.concatenate([dst, pad])
    f_p = jnp.pad(features, ((0, N_PAD - n), (0, 0)))
    m_p = jnp.pad(mask, ((0, N_PAD - n), (0, 0)))

    deg_kernel = _make_deg_kernel(e_pad)
    agg_kernel = _make_agg_kernel(e_pad)

    ones128 = jnp.ones((CHUNK, FEATS), jnp.float32)
    zeros128 = jnp.zeros((CHUNK, FEATS), jnp.float32)

    deg = deg_kernel(src_p, dst_p, ones128, zeros128)
    h1 = _prep_call(f_p, m_p, deg)
    agg1 = agg_kernel(h1, src_p, dst_p, zeros128)
    h2 = _layer1_call(agg1, deg, W1, b1)
    agg2 = agg_kernel(h2, src_p, dst_p, zeros128)
    out = _layer2_call(agg2, deg, W2, b2)
    return out[:n]

# --- scband reference (transcript-rebuilt; emitter-appended) ---
"""Pipeline reference for scband-gcn-unweighted-33887291965782 (READ-ONLY COPY).

The authoritative reference and input builder live on the scoring server;
editing this copy changes nothing except your own understanding.
"""

import jax, jax.numpy as jnp
import numpy as np

N_NODES = 10000
N_EDGES = 320000
IN_FEATS = 128
H_FEATS = 128


def _gcn_layer(x, src, dst, W, b, act):
    # DGL GraphConv, norm='both', weight=True, bias=True.
    n = x.shape[0]
    deg_out = jnp.zeros((n,), dtype=x.dtype).at[src].add(1.0)
    deg_in = jnp.zeros((n,), dtype=x.dtype).at[dst].add(1.0)
    norm_out = jnp.clip(deg_out, 1.0, None) ** -0.5
    norm_in = jnp.clip(deg_in, 1.0, None) ** -0.5
    h = x * norm_out[:, None]
    # message passing: sum messages from src into dst (scatter-add)
    agg = jnp.zeros_like(h).at[dst].add(h[src])
    agg = agg * norm_in[:, None]
    out = agg @ W + b
    if act is not None:
        out = act(out)
    return out


def setup_inputs(seed: int = 0) -> dict:
    key = jax.random.key(seed)
    k1, k2, k3, k4, k5, k6 = jax.random.split(key, 6)
    features = jax.random.normal(k1, (N_NODES, IN_FEATS), dtype=jnp.float32)
    mask = jax.random.uniform(k2, (N_NODES, IN_FEATS), dtype=jnp.float32)
    edge_index = jax.random.randint(k3, (2, N_EDGES), 0, N_NODES, dtype=jnp.int64)
    # GraphConv uses xavier_uniform for weight, zeros for bias
    lim1 = float(np.sqrt(6.0 / (IN_FEATS + H_FEATS)))
    W1 = jax.random.uniform(k4, (IN_FEATS, H_FEATS), dtype=jnp.float32, minval=-lim1, maxval=lim1)
    b1 = jnp.zeros((H_FEATS,), dtype=jnp.float32)
    lim2 = float(np.sqrt(6.0 / (H_FEATS + IN_FEATS)))
    W2 = jax.random.uniform(k5, (H_FEATS, IN_FEATS), dtype=jnp.float32, minval=-lim2, maxval=lim2)
    b2 = jnp.zeros((IN_FEATS,), dtype=jnp.float32)
    return {"features": features, "mask": mask, "edge_index": edge_index,
            "W1": W1, "b1": b1, "W2": W2, "b2": b2}


def reference(features, mask, edge_index, W1, b1, W2, b2):
    src = edge_index[0]
    dst = edge_index[1]
    x = features * mask
    h = _gcn_layer(x, src, dst, W1, b1, jax.nn.relu)
    out = _gcn_layer(h, src, dst, W2, b2, None)
    return out

if __name__ == "__main__":
    import jax
    _d = setup_inputs()
    print(jax.jit(kernel)(*tuple(_d.values())))

</pallas_src>

<mosaic_0001>
#map = affine_map<(d0, d1) -> (0)>
#map1 = affine_map<(d0, d1) -> (0, 0)>
#map2 = affine_map<(d0, d1) -> (0, 0, 0)>
module attributes {stable_mosaic.version = 14 : i64} {
  func.func @deg_kernel(%arg0: i32, %arg1: i32, %arg2: memref<323584xi32, #tpu.memory_space<hbm>>, %arg3: memref<323584xi32, #tpu.memory_space<hbm>>, %arg4: memref<128x128xf32, #tpu.memory_space<hbm>>, %arg5: memref<128x128xf32, #tpu.memory_space<hbm>>, %arg6: memref<2x10240x128xf32, #tpu.memory_space<hbm>>, %arg7: memref<128xi32, #tpu.memory_space<vmem>>, %arg8: memref<128x128xf32, #tpu.memory_space<vmem>>, %arg9: memref<128x128xf32, #tpu.memory_space<vmem>>, %arg10: memref<10240x128xf32, #tpu.memory_space<vmem_shared>>) attributes {dimension_semantics = [#tpu.dimension_semantics<core_parallel>, #tpu.dimension_semantics<subcore_parallel>], iteration_bounds = array<i64: 2, 16>, scalar_prefetch = 0 : i64, scratch_operands = 4 : i64, tpu.core_type = #tpu.core_type<sc_vector_subcore>, window_params = [{transform_indices = #map}, {transform_indices = #map}, {transform_indices = #map1}, {transform_indices = #map1}, {transform_indices = #map2}]} {
    %mul3A = arith.constant 640 : i32
    %mul3A_0 = arith.muli %arg1, %mul3A : i32
    "tpu.region"() ({
      %run_scoped3A = tpu.sem_alloc : memref<!tpu.dma_semaphore, #tpu.memory_space<semaphore_mem>>
      tpu.enqueue_dma source(%arg4 : memref<128x128xf32, #tpu.memory_space<hbm>>) target(%arg8 : memref<128x128xf32, #tpu.memory_space<vmem>>) target_semaphore(%run_scoped3A : memref<!tpu.dma_semaphore, #tpu.memory_space<semaphore_mem>>)
      tpu.wait_dma2 semaphore(%run_scoped3A : memref<!tpu.dma_semaphore, #tpu.memory_space<semaphore_mem>>) src(%arg4 : memref<128x128xf32, #tpu.memory_space<hbm>>) dst(%arg8 : memref<128x128xf32, #tpu.memory_space<vmem>>)
      tpu.yield
    }) : () -> ()
    "tpu.region"() ({
      %run_scoped3A = tpu.sem_alloc : memref<!tpu.dma_semaphore, #tpu.memory_space<semaphore_mem>>
      tpu.enqueue_dma source(%arg5 : memref<128x128xf32, #tpu.memory_space<hbm>>) target(%arg9 : memref<128x128xf32, #tpu.memory_space<vmem>>) target_semaphore(%run_scoped3A : memref<!tpu.dma_semaphore, #tpu.memory_space<semaphore_mem>>)
      tpu.wait_dma2 semaphore(%run_scoped3A : memref<!tpu.dma_semaphore, #tpu.memory_space<semaphore_mem>>) src(%arg5 : memref<128x128xf32, #tpu.memory_space<hbm>>) dst(%arg9 : memref<128x128xf32, #tpu.memory_space<vmem>>)
      tpu.yield
    }) : () -> ()
    %add3A = arith.constant 0 : i32
    %add3A_1 = arith.addi %mul3A_0, %add3A : i32
    "tpu.region"() ({
      %run_scoped3A = tpu.sem_alloc : memref<!tpu.dma_semaphore, #tpu.memory_space<semaphore_mem>>
      %dma_start3A = arith.constant 0 : i32
      %dma_start3A_32 = tpu.memref_slice %arg10[%add3A_1, %dma_start3A] : memref<10240x128xf32, #tpu.memory_space<vmem_shared>> -> memref<128x128xf32, #tpu.memory_space<vmem_shared>>
      %dma_start3A_33 = arith.constant 0 : i32
      %dma_start3A_34 = tpu.memref_slice %arg10[%add3A_1, %dma_start3A_33] : memref<10240x128xf32, #tpu.memory_space<vmem_shared>> -> memref<128x128xf32, #tpu.memory_space<vmem_shared>>
      tpu.enqueue_dma source(%arg9 : memref<128x128xf32, #tpu.memory_space<vmem>>) target(%dma_start3A_34 : memref<128x128xf32, #tpu.memory_space<vmem_shared>>) target_semaphore(%run_scoped3A : memref<!tpu.dma_semaphore, #tpu.memory_space<semaphore_mem>>)
      %dma_wait3A = arith.constant 0 : i32
      %dma_wait3A_35 = tpu.memref_slice %arg10[%add3A_1, %dma_wait3A] : memref<10240x128xf32, #tpu.memory_space<vmem_shared>> -> memref<128x128xf32, #tpu.memory_space<vmem_shared>>
      %dma_wait3A_36 = arith.constant 0 : i32
      %dma_wait3A_37 = tpu.memref_slice %arg10[%add3A_1, %dma_wait3A_36] : memref<10240x128xf32, #tpu.memory_space<vmem_shared>> -> memref<128x128xf32, #tpu.memory_space<vmem_shared>>
      tpu.wait_dma2 semaphore(%run_scoped3A : memref<!tpu.dma_semaphore, #tpu.memory_space<semaphore_mem>>) src(%arg9 : memref<128x128xf32, #tpu.memory_space<vmem>>) dst(%dma_wait3A_37 : memref<128x128xf32, #tpu.memory_space<vmem_shared>>)
      tpu.yield
    }) : () -> ()
    %add3A_2 = arith.constant 128 : i32
    %add3A_3 = arith.addi %mul3A_0, %add3A_2 : i32
    "tpu.region"() ({
      %run_scoped3A = tpu.sem_alloc : memref<!tpu.dma_semaphore, #tpu.memory_space<semaphore_mem>>
      %dma_start3A = arith.constant 0 : i32
      %dma_start3A_32 = tpu.memref_slice %arg10[%add3A_3, %dma_start3A] : memref<10240x128xf32, #tpu.memory_space<vmem_shared>> -> memref<128x128xf32, #tpu.memory_space<vmem_shared>>
      %dma_start3A_33 = arith.constant 0 : i32
      %dma_start3A_34 = tpu.memref_slice %arg10[%add3A_3, %dma_start3A_33] : memref<10240x128xf32, #tpu.memory_space<vmem_shared>> -> memref<128x128xf32, #tpu.memory_space<vmem_shared>>
      tpu.enqueue_dma source(%arg9 : memref<128x128xf32, #tpu.memory_space<vmem>>) target(%dma_start3A_34 : memref<128x128xf32, #tpu.memory_space<vmem_shared>>) target_semaphore(%run_scoped3A : memref<!tpu.dma_semaphore, #tpu.memory_space<semaphore_mem>>)
      %dma_wait3A = arith.constant 0 : i32
      %dma_wait3A_35 = tpu.memref_slice %arg10[%add3A_3, %dma_wait3A] : memref<10240x128xf32, #tpu.memory_space<vmem_shared>> -> memref<128x128xf32, #tpu.memory_space<vmem_shared>>
      %dma_wait3A_36 = arith.constant 0 : i32
      %dma_wait3A_37 = tpu.memref_slice %arg10[%add3A_3, %dma_wait3A_36] : memref<10240x128xf32, #tpu.memory_space<vmem_shared>> -> memref<128x128xf32, #tpu.memory_space<vmem_shared>>
      tpu.wait_dma2 semaphore(%run_scoped3A : memref<!tpu.dma_semaphore, #tpu.memory_space<semaphore_mem>>) src(%arg9 : memref<128x128xf32, #tpu.memory_space<vmem>>) dst(%dma_wait3A_37 : memref<128x128xf32, #tpu.memory_space<vmem_shared>>)
      tpu.yield
    }) : () -> ()
    %add3A_4 = arith.constant 256 : i32
    %add3A_5 = arith.addi %mul3A_0, %add3A_4 : i32
    "tpu.region"() ({
      %run_scoped3A = tpu.sem_alloc : memref<!tpu.dma_semaphore, #tpu.memory_space<semaphore_mem>>
      %dma_start3A = arith.constant 0 : i32
      %dma_start3A_32 = tpu.memref_slice %arg10[%add3A_5, %dma_start3A] : memref<10240x128xf32, #tpu.memory_space<vmem_shared>> -> memref<128x128xf32, #tpu.memory_space<vmem_shared>>
      %dma_start3A_33 = arith.constant 0 : i32
      %dma_start3A_34 = tpu.memref_slice %arg10[%add3A_5, %dma_start3A_33] : memref<10240x128xf32, #tpu.memory_space<vmem_shared>> -> memref<128x128xf32, #tpu.memory_space<vmem_shared>>
      tpu.enqueue_dma source(%arg9 : memref<128x128xf32, #tpu.memory_space<vmem>>) target(%dma_start3A_34 : memref<128x128xf32, #tpu.memory_space<vmem_shared>>) target_semaphore(%run_scoped3A : memref<!tpu.dma_semaphore, #tpu.memory_space<semaphore_mem>>)
      %dma_wait3A = arith.constant 0 : i32
      %dma_wait3A_35 = tpu.memref_slice %arg10[%add3A_5, %dma_wait3A] : memref<10240x128xf32, #tpu.memory_space<vmem_shared>> -> memref<128x128xf32, #tpu.memory_space<vmem_shared>>
      %dma_wait3A_36 = arith.constant 0 : i32
      %dma_wait3A_37 = tpu.memref_slice %arg10[%add3A_5, %dma_wait3A_36] : memref<10240x128xf32, #tpu.memory_space<vmem_shared>> -> memref<128x128xf32, #tpu.memory_space<vmem_shared>>
      tpu.wait_dma2 semaphore(%run_scoped3A : memref<!tpu.dma_semaphore, #tpu.memory_space<semaphore_mem>>) src(%arg9 : memref<128x128xf32, #tpu.memory_space<vmem>>) dst(%dma_wait3A_37 : memref<128x128xf32, #tpu.memory_space<vmem_shared>>)
      tpu.yield
    }) : () -> ()
    %add3A_6 = arith.constant 384 : i32
    %add3A_7 = arith.addi %mul3A_0, %add3A_6 : i32
    "tpu.region"() ({
      %run_scoped3A = tpu.sem_alloc : memref<!tpu.dma_semaphore, #tpu.memory_space<semaphore_mem>>
      %dma_start3A = arith.constant 0 : i32
      %dma_start3A_32 = tpu.memref_slice %arg10[%add3A_7, %dma_start3A] : memref<10240x128xf32, #tpu.memory_space<vmem_shared>> -> memref<128x128xf32, #tpu.memory_space<vmem_shared>>
      %dma_start3A_33 = arith.constant 0 : i32
      %dma_start3A_34 = tpu.memref_slice %arg10[%add3A_7, %dma_start3A_33] : memref<10240x128xf32, #tpu.memory_space<vmem_shared>> -> memref<128x128xf32, #tpu.memory_space<vmem_shared>>
      tpu.enqueue_dma source(%arg9 : memref<128x128xf32, #tpu.memory_space<vmem>>) target(%dma_start3A_34 : memref<128x128xf32, #tpu.memory_space<vmem_shared>>) target_semaphore(%run_scoped3A : memref<!tpu.dma_semaphore, #tpu.memory_space<semaphore_mem>>)
      %dma_wait3A = arith.constant 0 : i32
      %dma_wait3A_35 = tpu.memref_slice %arg10[%add3A_7, %dma_wait3A] : memref<10240x128xf32, #tpu.memory_space<vmem_shared>> -> memref<128x128xf32, #tpu.memory_space<vmem_shared>>
      %dma_wait3A_36 = arith.constant 0 : i32
      %dma_wait3A_37 = tpu.memref_slice %arg10[%add3A_7, %dma_wait3A_36] : memref<10240x128xf32, #tpu.memory_space<vmem_shared>> -> memref<128x128xf32, #tpu.memory_space<vmem_shared>>
      tpu.wait_dma2 semaphore(%run_scoped3A : memref<!tpu.dma_semaphore, #tpu.memory_space<semaphore_mem>>) src(%arg9 : memref<128x128xf32, #tpu.memory_space<vmem>>) dst(%dma_wait3A_37 : memref<128x128xf32, #tpu.memory_space<vmem_shared>>)
      tpu.yield
    }) : () -> ()
    %add3A_8 = arith.constant 512 : i32
    %add3A_9 = arith.addi %mul3A_0, %add3A_8 : i32
    "tpu.region"() ({
      %run_scoped3A = tpu.sem_alloc : memref<!tpu.dma_semaphore, #tpu.memory_space<semaphore_mem>>
      %dma_start3A = arith.constant 0 : i32
      %dma_start3A_32 = tpu.memref_slice %arg10[%add3A_9, %dma_start3A] : memref<10240x128xf32, #tpu.memory_space<vmem_shared>> -> memref<128x128xf32, #tpu.memory_space<vmem_shared>>
      %dma_start3A_33 = arith.constant 0 : i32
      %dma_start3A_34 = tpu.memref_slice %arg10[%add3A_9, %dma_start3A_33] : memref<10240x128xf32, #tpu.memory_space<vmem_shared>> -> memref<128x128xf32, #tpu.memory_space<vmem_shared>>
      tpu.enqueue_dma source(%arg9 : memref<128x128xf32, #tpu.memory_space<vmem>>) target(%dma_start3A_34 : memref<128x128xf32, #tpu.memory_space<vmem_shared>>) target_semaphore(%run_scoped3A : memref<!tpu.dma_semaphore, #tpu.memory_space<semaphore_mem>>)
      %dma_wait3A = arith.constant 0 : i32
      %dma_wait3A_35 = tpu.memref_slice %arg10[%add3A_9, %dma_wait3A] : memref<10240x128xf32, #tpu.memory_space<vmem_shared>> -> memref<128x128xf32, #tpu.memory_space<vmem_shared>>
      %dma_wait3A_36 = arith.constant 0 : i32
      %dma_wait3A_37 = tpu.memref_slice %arg10[%add3A_9, %dma_wait3A_36] : memref<10240x128xf32, #tpu.memory_space<vmem_shared>> -> memref<128x128xf32, #tpu.memory_space<vmem_shared>>
      tpu.wait_dma2 semaphore(%run_scoped3A : memref<!tpu.dma_semaphore, #tpu.memory_space<semaphore_mem>>) src(%arg9 : memref<128x128xf32, #tpu.memory_space<vmem>>) dst(%dma_wait3A_37 : memref<128x128xf32, #tpu.memory_space<vmem_shared>>)
      tpu.yield
    }) : () -> ()
    %barrier3A = arith.constant 0 : index
    tpu.barrier barrier_id(%barrier3A)
    %mul3A_10 = arith.constant 158 : i32
    %mul3A_11 = arith.muli %arg1, %mul3A_10 : i32
    %mul3A_12 = arith.constant 128 : i32
    %mul3A_13 = arith.muli %mul3A_11, %mul3A_12 : i32
    %eq3A = arith.constant 0 : i32
    %eq3A_14 = arith.cmpi eq, %arg0, %eq3A : i32
    %convert_element_type3A = arith.extui %eq3A_14 : i1 to i32
    %cond3A = arith.constant 0 : i32
    %cond3A_15 = arith.cmpi ne, %convert_element_type3A, %cond3A : i32
    scf.if %cond3A_15 {
      %scan3A = arith.constant 0 : i32
      %scan3A_32 = arith.constant 0 : i32
      %scan3A_33 = arith.constant 158 : i32
      %scan3A_34 = arith.addi %scan3A_32, %scan3A_33 : i32
      %scan3A_35 = arith.constant 1 : i32
      %scan3A_36 = scf.for %scan3A_38 = %scan3A_32 to %scan3A_34 step %scan3A_35 iter_args(%scan3A_39 = %scan3A) -> (i32)  : i32 {
        %mul3A_40 = arith.constant 128 : i32
        %mul3A_41 = arith.muli %scan3A_38, %mul3A_40 : i32
        %add3A_42 = arith.addi %mul3A_13, %mul3A_41 : i32
        %multiple_of3A = tpu.assume_multiple %add3A_42, 128 : i32
        "tpu.region"() ({
          %run_scoped3A = tpu.sem_alloc : memref<!tpu.dma_semaphore, #tpu.memory_space<semaphore_mem>>
          %dma_start3A = tpu.memref_slice %arg2[%multiple_of3A] : memref<323584xi32, #tpu.memory_space<hbm>> -> memref<128xi32, #tpu.memory_space<hbm>>
          %dma_start3A_44 = tpu.memref_slice %arg2[%multiple_of3A] : memref<323584xi32, #tpu.memory_space<hbm>> -> memref<128xi32, #tpu.memory_space<hbm>>
          tpu.enqueue_dma source(%dma_start3A_44 : memref<128xi32, #tpu.memory_space<hbm>>) target(%arg7 : memref<128xi32, #tpu.memory_space<vmem>>) target_semaphore(%run_scoped3A : memref<!tpu.dma_semaphore, #tpu.memory_space<semaphore_mem>>)
          %dma_wait3A = tpu.memref_slice %arg2[%multiple_of3A] : memref<323584xi32, #tpu.memory_space<hbm>> -> memref<128xi32, #tpu.memory_space<hbm>>
          %dma_wait3A_45 = tpu.memref_slice %arg2[%multiple_of3A] : memref<323584xi32, #tpu.memory_space<hbm>> -> memref<128xi32, #tpu.memory_space<hbm>>
          tpu.wait_dma2 semaphore(%run_scoped3A : memref<!tpu.dma_semaphore, #tpu.memory_space<semaphore_mem>>) src(%dma_wait3A_45 : memref<128xi32, #tpu.memory_space<hbm>>) dst(%arg7 : memref<128xi32, #tpu.memory_space<vmem>>)
          tpu.yield
        }) : () -> ()
        "tpu.region"() ({
          %run_scoped3A = tpu.sem_alloc : memref<!tpu.dma_semaphore, #tpu.memory_space<semaphore_mem>>
          %dma_start3A = arith.constant 0 : i32
          %dma_start3A_44 = arith.constant 0 : i32
          %dma_start3A_45 = tpu.memref_slice %arg10[%dma_start3A, %dma_start3A_44] : memref<10240x128xf32, #tpu.memory_space<vmem_shared>> -> memref<10240x128xf32, #tpu.memory_space<vmem_shared>>
          tpu.enqueue_indirect_dma source(%arg8 : memref<128x128xf32, #tpu.memory_space<vmem>>) target(%dma_start3A_45 : memref<10240x128xf32, #tpu.memory_space<vmem_shared>>) offsets(%arg7 : memref<128xi32, #tpu.memory_space<vmem>>) semaphore(%run_scoped3A : memref<!tpu.dma_semaphore, #tpu.memory_space<semaphore_mem>>) {add = true}
          %dma_wait3A = arith.constant 0 : i32
          %dma_wait3A_46 = arith.constant 0 : i32
          %dma_wait3A_47 = tpu.memref_slice %arg10[%dma_wait3A, %dma_wait3A_46] : memref<10240x128xf32, #tpu.memory_space<vmem_shared>> -> memref<10240x128xf32, #tpu.memory_space<vmem_shared>>
          tpu.wait_indirect_dma semaphore(%run_scoped3A : memref<!tpu.dma_semaphore, #tpu.memory_space<semaphore_mem>>) src(%arg8 : memref<128x128xf32, #tpu.memory_space<vmem>>) dst(%dma_wait3A_47 : memref<10240x128xf32, #tpu.memory_space<vmem_shared>>)
          tpu.yield
        }) : () -> ()
        %scan3A_43 = arith.constant 0 : i32
        scf.yield %scan3A_43 : i32
      }
      %scan3A_37 = arith.constant 158 : i32
    } else {
    }
    %eq3A_16 = arith.constant 1 : i32
    %eq3A_17 = arith.cmpi eq, %arg0, %eq3A_16 : i32
    %convert_element_type3A_18 = arith.extui %eq3A_17 : i1 to i32
    %cond3A_19 = arith.constant 0 : i32
    %cond3A_20 = arith.cmpi ne, %convert_element_type3A_18, %cond3A_19 : i32
    scf.if %cond3A_20 {
      %scan3A = arith.constant 0 : i32
      %scan3A_32 = arith.constant 0 : i32
      %scan3A_33 = arith.constant 158 : i32
      %scan3A_34 = arith.addi %scan3A_32, %scan3A_33 : i32
      %scan3A_35 = arith.constant 1 : i32
      %scan3A_36 = scf.for %scan3A_38 = %scan3A_32 to %scan3A_34 step %scan3A_35 iter_args(%scan3A_39 = %scan3A) -> (i32)  : i32 {
        %mul3A_40 = arith.constant 128 : i32
        %mul3A_41 = arith.muli %scan3A_38, %mul3A_40 : i32
        %add3A_42 = arith.addi %mul3A_13, %mul3A_41 : i32
        %multiple_of3A = tpu.assume_multiple %add3A_42, 128 : i32
        "tpu.region"() ({
          %run_scoped3A = tpu.sem_alloc : memref<!tpu.dma_semaphore, #tpu.memory_space<semaphore_mem>>
          %dma_start3A = tpu.memref_slice %arg3[%multiple_of3A] : memref<323584xi32, #tpu.memory_space<hbm>> -> memref<128xi32, #tpu.memory_space<hbm>>
          %dma_start3A_44 = tpu.memref_slice %arg3[%multiple_of3A] : memref<323584xi32, #tpu.memory_space<hbm>> -> memref<128xi32, #tpu.memory_space<hbm>>
          tpu.enqueue_dma source(%dma_start3A_44 : memref<128xi32, #tpu.memory_space<hbm>>) target(%arg7 : memref<128xi32, #tpu.memory_space<vmem>>) target_semaphore(%run_scoped3A : memref<!tpu.dma_semaphore, #tpu.memory_space<semaphore_mem>>)
          %dma_wait3A = tpu.memref_slice %arg3[%multiple_of3A] : memref<323584xi32, #tpu.memory_space<hbm>> -> memref<128xi32, #tpu.memory_space<hbm>>
          %dma_wait3A_45 = tpu.memref_slice %arg3[%multiple_of3A] : memref<323584xi32, #tpu.memory_space<hbm>> -> memref<128xi32, #tpu.memory_space<hbm>>
          tpu.wait_dma2 semaphore(%run_scoped3A : memref<!tpu.dma_semaphore, #tpu.memory_space<semaphore_mem>>) src(%dma_wait3A_45 : memref<128xi32, #tpu.memory_space<hbm>>) dst(%arg7 : memref<128xi32, #tpu.memory_space<vmem>>)
          tpu.yield
        }) : () -> ()
        "tpu.region"() ({
          %run_scoped3A = tpu.sem_alloc : memref<!tpu.dma_semaphore, #tpu.memory_space<semaphore_mem>>
          %dma_start3A = arith.constant 0 : i32
          %dma_start3A_44 = arith.constant 0 : i32
          %dma_start3A_45 = tpu.memref_slice %arg10[%dma_start3A, %dma_start3A_44] : memref<10240x128xf32, #tpu.memory_space<vmem_shared>> -> memref<10240x128xf32, #tpu.memory_space<vmem_shared>>
          tpu.enqueue_indirect_dma source(%arg8 : memref<128x128xf32, #tpu.memory_space<vmem>>) target(%dma_start3A_45 : memref<10240x128xf32, #tpu.memory_space<vmem_shared>>) offsets(%arg7 : memref<128xi32, #tpu.memory_space<vmem>>) semaphore(%run_scoped3A : memref<!tpu.dma_semaphore, #tpu.memory_space<semaphore_mem>>) {add = true}
          %dma_wait3A = arith.constant 0 : i32
          %dma_wait3A_46 = arith.constant 0 : i32
          %dma_wait3A_47 = tpu.memref_slice %arg10[%dma_wait3A, %dma_wait3A_46] : memref<10240x128xf32, #tpu.memory_space<vmem_shared>> -> memref<10240x128xf32, #tpu.memory_space<vmem_shared>>
          tpu.wait_indirect_dma semaphore(%run_scoped3A : memref<!tpu.dma_semaphore, #tpu.memory_space<semaphore_mem>>) src(%arg8 : memref<128x128xf32, #tpu.memory_space<vmem>>) dst(%dma_wait3A_47 : memref<10240x128xf32, #tpu.memory_space<vmem_shared>>)
          tpu.yield
        }) : () -> ()
        %scan3A_43 = arith.constant 0 : i32
        scf.yield %scan3A_43 : i32
      }
      %scan3A_37 = arith.constant 158 : i32
    } else {
    }
    %barrier3A_21 = arith.constant 0 : index
    tpu.barrier barrier_id(%barrier3A_21)
    %add3A_22 = arith.constant 0 : i32
    %add3A_23 = arith.addi %mul3A_0, %add3A_22 : i32
    "tpu.region"() ({
      %run_scoped3A = tpu.sem_alloc : memref<!tpu.dma_semaphore, #tpu.memory_space<semaphore_mem>>
      %dma_start3A = arith.constant 0 : i32
      %dma_start3A_32 = tpu.memref_slice %arg10[%add3A_23, %dma_start3A] : memref<10240x128xf32, #tpu.memory_space<vmem_shared>> -> memref<128x128xf32, #tpu.memory_space<vmem_shared>>
      %dma_start3A_33 = arith.constant 0 : i32
      %dma_start3A_34 = tpu.memref_slice %arg10[%add3A_23, %dma_start3A_33] : memref<10240x128xf32, #tpu.memory_space<vmem_shared>> -> memref<128x128xf32, #tpu.memory_space<vmem_shared>>
      tpu.enqueue_dma source(%dma_start3A_34 : memref<128x128xf32, #tpu.memory_space<vmem_shared>>) target(%arg9 : memref<128x128xf32, #tpu.memory_space<vmem>>) target_semaphore(%run_scoped3A : memref<!tpu.dma_semaphore, #tpu.memory_space<semaphore_mem>>)
      %dma_wait3A = arith.constant 0 : i32
      %dma_wait3A_35 = tpu.memref_slice %arg10[%add3A_23, %dma_wait3A] : memref<10240x128xf32, #tpu.memory_space<vmem_shared>> -> memref<128x128xf32, #tpu.memory_space<vmem_shared>>
      %dma_wait3A_36 = arith.constant 0 : i32
      %dma_wait3A_37 = tpu.memref_slice %arg10[%add3A_23, %dma_wait3A_36] : memref<10240x128xf32, #tpu.memory_space<vmem_shared>> -> memref<128x128xf32, #tpu.memory_space<vmem_shared>>
      tpu.wait_dma2 semaphore(%run_scoped3A : memref<!tpu.dma_semaphore, #tpu.memory_space<semaphore_mem>>) src(%dma_wait3A_37 : memref<128x128xf32, #tpu.memory_space<vmem_shared>>) dst(%arg9 : memref<128x128xf32, #tpu.memory_space<vmem>>)
      tpu.yield
    }) : () -> ()
    "tpu.region"() ({
      %run_scoped3A = tpu.sem_alloc : memref<!tpu.dma_semaphore, #tpu.memory_space<semaphore_mem>>
      %dma_start3A = arith.constant 0 : i32
      %dma_start3A_32 = tpu.memref_slice %arg6[%arg0, %add3A_23, %dma_start3A] : memref<2x10240x128xf32, #tpu.memory_space<hbm>> -> memref<1x128x128xf32, #tpu.memory_space<hbm>>
      %dma_start3A_33 = tpu.memref_squeeze %dma_start3A_32 : memref<1x128x128xf32, #tpu.memory_space<hbm>> -> memref<128x128xf32, #tpu.memory_space<hbm>>
      %dma_start3A_34 = arith.constant 0 : i32
      %dma_start3A_35 = tpu.memref_slice %arg6[%arg0, %add3A_23, %dma_start3A_34] : memref<2x10240x128xf32, #tpu.memory_space<hbm>> -> memref<1x128x128xf32, #tpu.memory_space<hbm>>
      %dma_start3A_36 = tpu.memref_squeeze %dma_start3A_35 : memref<1x128x128xf32, #tpu.memory_space<hbm>> -> memref<128x128xf32, #tpu.memory_space<hbm>>
      tpu.enqueue_dma source(%arg9 : memref<128x128xf32, #tpu.memory_space<vmem>>) target(%dma_start3A_36 : memref<128x128xf32, #tpu.memory_space<hbm>>) target_semaphore(%run_scoped3A : memref<!tpu.dma_semaphore, #tpu.memory_space<semaphore_mem>>)
      %dma_wait3A = arith.constant 0 : i32
      %dma_wait3A_37 = tpu.memref_slice %arg6[%arg0, %add3A_23, %dma_wait3A] : memref<2x10240x128xf32, #tpu.memory_space<hbm>> -> memref<1x128x128xf32, #tpu.memory_space<hbm>>
      %dma_wait3A_38 = tpu.memref_squeeze %dma_wait3A_37 : memref<1x128x128xf32, #tpu.memory_space<hbm>> -> memref<128x128xf32, #tpu.memory_space<hbm>>
      %dma_wait3A_39 = arith.constant 0 : i32
      %dma_wait3A_40 = tpu.memref_slice %arg6[%arg0, %add3A_23, %dma_wait3A_39] : memref<2x10240x128xf32, #tpu.memory_space<hbm>> -> memref<1x128x128xf32, #tpu.memory_space<hbm>>
      %dma_wait3A_41 = tpu.memref_squeeze %dma_wait3A_40 : memref<1x128x128xf32, #tpu.memory_space<hbm>> -> memref<128x128xf32, #tpu.memory_space<hbm>>
      tpu.wait_dma2 semaphore(%run_scoped3A : memref<!tpu.dma_semaphore, #tpu.memory_space<semaphore_mem>>) src(%arg9 : memref<128x128xf32, #tpu.memory_space<vmem>>) dst(%dma_wait3A_41 : memref<128x128xf32, #tpu.memory_space<hbm>>)
      tpu.yield
    }) : () -> ()
    %add3A_24 = arith.constant 128 : i32
    %add3A_25 = arith.addi %mul3A_0, %add3A_24 : i32
    "tpu.region"() ({
      %run_scoped3A = tpu.sem_alloc : memref<!tpu.dma_semaphore, #tpu.memory_space<semaphore_mem>>
      %dma_start3A = arith.constant 0 : i32
      %dma_start3A_32 = tpu.memref_slice %arg10[%add3A_25, %dma_start3A] : memref<10240x128xf32, #tpu.memory_space<vmem_shared>> -> memref<128x128xf32, #tpu.memory_space<vmem_shared>>
      %dma_start3A_33 = arith.constant 0 : i32
      %dma_start3A_34 = tpu.memref_slice %arg10[%add3A_25, %dma_start3A_33] : memref<10240x128xf32, #tpu.memory_space<vmem_shared>> -> memref<128x128xf32, #tpu.memory_space<vmem_shared>>
      tpu.enqueue_dma source(%dma_start3A_34 : memref<128x128xf32, #tpu.memory_space<vmem_shared>>) target(%arg9 : memref<128x128xf32, #tpu.memory_space<vmem>>) target_semaphore(%run_scoped3A : memref<!tpu.dma_semaphore, #tpu.memory_space<semaphore_mem>>)
      %dma_wait3A = arith.constant 0 : i32
      %dma_wait3A_35 = tpu.memref_slice %arg10[%add3A_25, %dma_wait3A] : memref<10240x128xf32, #tpu.memory_space<vmem_shared>> -> memref<128x128xf32, #tpu.memory_space<vmem_shared>>
      %dma_wait3A_36 = arith.constant 0 : i32
      %dma_wait3A_37 = tpu.memref_slice %arg10[%add3A_25, %dma_wait3A_36] : memref<10240x128xf32, #tpu.memory_space<vmem_shared>> -> memref<128x128xf32, #tpu.memory_space<vmem_shared>>
      tpu.wait_dma2 semaphore(%run_scoped3A : memref<!tpu.dma_semaphore, #tpu.memory_space<semaphore_mem>>) src(%dma_wait3A_37 : memref<128x128xf32, #tpu.memory_space<vmem_shared>>) dst(%arg9 : memref<128x128xf32, #tpu.memory_space<vmem>>)
      tpu.yield
    }) : () -> ()
    "tpu.region"() ({
      %run_scoped3A = tpu.sem_alloc : memref<!tpu.dma_semaphore, #tpu.memory_space<semaphore_mem>>
      %dma_start3A = arith.constant 0 : i32
      %dma_start3A_32 = tpu.memref_slice %arg6[%arg0, %add3A_25, %dma_start3A] : memref<2x10240x128xf32, #tpu.memory_space<hbm>> -> memref<1x128x128xf32, #tpu.memory_space<hbm>>
      %dma_start3A_33 = tpu.memref_squeeze %dma_start3A_32 : memref<1x128x128xf32, #tpu.memory_space<hbm>> -> memref<128x128xf32, #tpu.memory_space<hbm>>
      %dma_start3A_34 = arith.constant 0 : i32
      %dma_start3A_35 = tpu.memref_slice %arg6[%arg0, %add3A_25, %dma_start3A_34] : memref<2x10240x128xf32, #tpu.memory_space<hbm>> -> memref<1x128x128xf32, #tpu.memory_space<hbm>>
      %dma_start3A_36 = tpu.memref_squeeze %dma_start3A_35 : memref<1x128x128xf32, #tpu.memory_space<hbm>> -> memref<128x128xf32, #tpu.memory_space<hbm>>
      tpu.enqueue_dma source(%arg9 : memref<128x128xf32, #tpu.memory_space<vmem>>) target(%dma_start3A_36 : memref<128x128xf32, #tpu.memory_space<hbm>>) target_semaphore(%run_scoped3A : memref<!tpu.dma_semaphore, #tpu.memory_space<semaphore_mem>>)
      %dma_wait3A = arith.constant 0 : i32
      %dma_wait3A_37 = tpu.memref_slice %arg6[%arg0, %add3A_25, %dma_wait3A] : memref<2x10240x128xf32, #tpu.memory_space<hbm>> -> memref<1x128x128xf32, #tpu.memory_space<hbm>>
      %dma_wait3A_38 = tpu.memref_squeeze %dma_wait3A_37 : memref<1x128x128xf32, #tpu.memory_space<hbm>> -> memref<128x128xf32, #tpu.memory_space<hbm>>
      %dma_wait3A_39 = arith.constant 0 : i32
      %dma_wait3A_40 = tpu.memref_slice %arg6[%arg0, %add3A_25, %dma_wait3A_39] : memref<2x10240x128xf32, #tpu.memory_space<hbm>> -> memref<1x128x128xf32, #tpu.memory_space<hbm>>
      %dma_wait3A_41 = tpu.memref_squeeze %dma_wait3A_40 : memref<1x128x128xf32, #tpu.memory_space<hbm>> -> memref<128x128xf32, #tpu.memory_space<hbm>>
      tpu.wait_dma2 semaphore(%run_scoped3A : memref<!tpu.dma_semaphore, #tpu.memory_space<semaphore_mem>>) src(%arg9 : memref<128x128xf32, #tpu.memory_space<vmem>>) dst(%dma_wait3A_41 : memref<128x128xf32, #tpu.memory_space<hbm>>)
      tpu.yield
    }) : () -> ()
    %add3A_26 = arith.constant 256 : i32
    %add3A_27 = arith.addi %mul3A_0, %add3A_26 : i32
    "tpu.region"() ({
      %run_scoped3A = tpu.sem_alloc : memref<!tpu.dma_semaphore, #tpu.memory_space<semaphore_mem>>
      %dma_start3A = arith.constant 0 : i32
      %dma_start3A_32 = tpu.memref_slice %arg10[%add3A_27, %dma_start3A] : memref<10240x128xf32, #tpu.memory_space<vmem_shared>> -> memref<128x128xf32, #tpu.memory_space<vmem_shared>>
      %dma_start3A_33 = arith.constant 0 : i32
      %dma_start3A_34 = tpu.memref_slice %arg10[%add3A_27, %dma_start3A_33] : memref<10240x128xf32, #tpu.memory_space<vmem_shared>> -> memref<128x128xf32, #tpu.memory_space<vmem_shared>>
      tpu.enqueue_dma source(%dma_start3A_34 : memref<128x128xf32, #tpu.memory_space<vmem_shared>>) target(%arg9 : memref<128x128xf32, #tpu.memory_space<vmem>>) target_semaphore(%run_scoped3A : memref<!tpu.dma_semaphore, #tpu.memory_space<semaphore_mem>>)
      %dma_wait3A = arith.constant 0 : i32
      %dma_wait3A_35 = tpu.memref_slice %arg10[%add3A_27, %dma_wait3A] : memref<10240x128xf32, #tpu.memory_space<vmem_shared>> -> memref<128x128xf32, #tpu.memory_space<vmem_shared>>
      %dma_wait3A_36 = arith.constant 0 : i32
      %dma_wait3A_37 = tpu.memref_slice %arg10[%add3A_27, %dma_wait3A_36] : memref<10240x128xf32, #tpu.memory_space<vmem_shared>> -> memref<128x128xf32, #tpu.memory_space<vmem_shared>>
      tpu.wait_dma2 semaphore(%run_scoped3A : memref<!tpu.dma_semaphore, #tpu.memory_space<semaphore_mem>>) src(%dma_wait3A_37 : memref<128x128xf32, #tpu.memory_space<vmem_shared>>) dst(%arg9 : memref<128x128xf32, #tpu.memory_space<vmem>>)
      tpu.yield
    }) : () -> ()
    "tpu.region"() ({
      %run_scoped3A = tpu.sem_alloc : memref<!tpu.dma_semaphore, #tpu.memory_space<semaphore_mem>>
      %dma_start3A = arith.constant 0 : i32
      %dma_start3A_32 = tpu.memref_slice %arg6[%arg0, %add3A_27, %dma_start3A] : memref<2x10240x128xf32, #tpu.memory_space<hbm>> -> memref<1x128x128xf32, #tpu.memory_space<hbm>>
      %dma_start3A_33 = tpu.memref_squeeze %dma_start3A_32 : memref<1x128x128xf32, #tpu.memory_space<hbm>> -> memref<128x128xf32, #tpu.memory_space<hbm>>
      %dma_start3A_34 = arith.constant 0 : i32
      %dma_start3A_35 = tpu.memref_slice %arg6[%arg0, %add3A_27, %dma_start3A_34] : memref<2x10240x128xf32, #tpu.memory_space<hbm>> -> memref<1x128x128xf32, #tpu.memory_space<hbm>>
      %dma_start3A_36 = tpu.memref_squeeze %dma_start3A_35 : memref<1x128x128xf32, #tpu.memory_space<hbm>> -> memref<128x128xf32, #tpu.memory_space<hbm>>
      tpu.enqueue_dma source(%arg9 : memref<128x128xf32, #tpu.memory_space<vmem>>) target(%dma_start3A_36 : memref<128x128xf32, #tpu.memory_space<hbm>>) target_semaphore(%run_scoped3A : memref<!tpu.dma_semaphore, #tpu.memory_space<semaphore_mem>>)
      %dma_wait3A = arith.constant 0 : i32
      %dma_wait3A_37 = tpu.memref_slice %arg6[%arg0, %add3A_27, %dma_wait3A] : memref<2x10240x128xf32, #tpu.memory_space<hbm>> -> memref<1x128x128xf32, #tpu.memory_space<hbm>>
      %dma_wait3A_38 = tpu.memref_squeeze %dma_wait3A_37 : memref<1x128x128xf32, #tpu.memory_space<hbm>> -> memref<128x128xf32, #tpu.memory_space<hbm>>
      %dma_wait3A_39 = arith.constant 0 : i32
      %dma_wait3A_40 = tpu.memref_slice %arg6[%arg0, %add3A_27, %dma_wait3A_39] : memref<2x10240x128xf32, #tpu.memory_space<hbm>> -> memref<1x128x128xf32, #tpu.memory_space<hbm>>
      %dma_wait3A_41 = tpu.memref_squeeze %dma_wait3A_40 : memref<1x128x128xf32, #tpu.memory_space<hbm>> -> memref<128x128xf32, #tpu.memory_space<hbm>>
      tpu.wait_dma2 semaphore(%run_scoped3A : memref<!tpu.dma_semaphore, #tpu.memory_space<semaphore_mem>>) src(%arg9 : memref<128x128xf32, #tpu.memory_space<vmem>>) dst(%dma_wait3A_41 : memref<128x128xf32, #tpu.memory_space<hbm>>)
      tpu.yield
    }) : () -> ()
    %add3A_28 = arith.constant 384 : i32
    %add3A_29 = arith.addi %mul3A_0, %add3A_28 : i32
    "tpu.region"() ({
      %run_scoped3A = tpu.sem_alloc : memref<!tpu.dma_semaphore, #tpu.memory_space<semaphore_mem>>
      %dma_start3A = arith.constant 0 : i32
      %dma_start3A_32 = tpu.memref_slice %arg10[%add3A_29, %dma_start3A] : memref<10240x128xf32, #tpu.memory_space<vmem_shared>> -> memref<128x128xf32, #tpu.memory_space<vmem_shared>>
      %dma_start3A_33 = arith.constant 0 : i32
      %dma_start3A_34 = tpu.memref_slice %arg10[%add3A_29, %dma_start3A_33] : memref<10240x128xf32, #tpu.memory_space<vmem_shared>> -> memref<128x128xf32, #tpu.memory_space<vmem_shared>>
      tpu.enqueue_dma source(%dma_start3A_34 : memref<128x128xf32, #tpu.memory_space<vmem_shared>>) target(%arg9 : memref<128x128xf32, #tpu.memory_space<vmem>>) target_semaphore(%run_scoped3A : memref<!tpu.dma_semaphore, #tpu.memory_space<semaphore_mem>>)
      %dma_wait3A = arith.constant 0 : i32
      %dma_wait3A_35 = tpu.memref_slice %arg10[%add3A_29, %dma_wait3A] : memref<10240x128xf32, #tpu.memory_space<vmem_shared>> -> memref<128x128xf32, #tpu.memory_space<vmem_shared>>
      %dma_wait3A_36 = arith.constant 0 : i32
      %dma_wait3A_37 = tpu.memref_slice %arg10[%add3A_29, %dma_wait3A_36] : memref<10240x128xf32, #tpu.memory_space<vmem_shared>> -> memref<128x128xf32, #tpu.memory_space<vmem_shared>>
      tpu.wait_dma2 semaphore(%run_scoped3A : memref<!tpu.dma_semaphore, #tpu.memory_space<semaphore_mem>>) src(%dma_wait3A_37 : memref<128x128xf32, #tpu.memory_space<vmem_shared>>) dst(%arg9 : memref<128x128xf32, #tpu.memory_space<vmem>>)
      tpu.yield
    }) : () -> ()
    "tpu.region"() ({
      %run_scoped3A = tpu.sem_alloc : memref<!tpu.dma_semaphore, #tpu.memory_space<semaphore_mem>>
      %dma_start3A = arith.constant 0 : i32
      %dma_start3A_32 = tpu.memref_slice %arg6[%arg0, %add3A_29, %dma_start3A] : memref<2x10240x128xf32, #tpu.memory_space<hbm>> -> memref<1x128x128xf32, #tpu.memory_space<hbm>>
      %dma_start3A_33 = tpu.memref_squeeze %dma_start3A_32 : memref<1x128x128xf32, #tpu.memory_space<hbm>> -> memref<128x128xf32, #tpu.memory_space<hbm>>
      %dma_start3A_34 = arith.constant 0 : i32
      %dma_start3A_35 = tpu.memref_slice %arg6[%arg0, %add3A_29, %dma_start3A_34] : memref<2x10240x128xf32, #tpu.memory_space<hbm>> -> memref<1x128x128xf32, #tpu.memory_space<hbm>>
      %dma_start3A_36 = tpu.memref_squeeze %dma_start3A_35 : memref<1x128x128xf32, #tpu.memory_space<hbm>> -> memref<128x128xf32, #tpu.memory_space<hbm>>
      tpu.enqueue_dma source(%arg9 : memref<128x128xf32, #tpu.memory_space<vmem>>) target(%dma_start3A_36 : memref<128x128xf32, #tpu.memory_space<hbm>>) target_semaphore(%run_scoped3A : memref<!tpu.dma_semaphore, #tpu.memory_space<semaphore_mem>>)
      %dma_wait3A = arith.constant 0 : i32
      %dma_wait3A_37 = tpu.memref_slice %arg6[%arg0, %add3A_29, %dma_wait3A] : memref<2x10240x128xf32, #tpu.memory_space<hbm>> -> memref<1x128x128xf32, #tpu.memory_space<hbm>>
      %dma_wait3A_38 = tpu.memref_squeeze %dma_wait3A_37 : memref<1x128x128xf32, #tpu.memory_space<hbm>> -> memref<128x128xf32, #tpu.memory_space<hbm>>
      %dma_wait3A_39 = arith.constant 0 : i32
      %dma_wait3A_40 = tpu.memref_slice %arg6[%arg0, %add3A_29, %dma_wait3A_39] : memref<2x10240x128xf32, #tpu.memory_space<hbm>> -> memref<1x128x128xf32, #tpu.memory_space<hbm>>
      %dma_wait3A_41 = tpu.memref_squeeze %dma_wait3A_40 : memref<1x128x128xf32, #tpu.memory_space<hbm>> -> memref<128x128xf32, #tpu.memory_space<hbm>>
      tpu.wait_dma2 semaphore(%run_scoped3A : memref<!tpu.dma_semaphore, #tpu.memory_space<semaphore_mem>>) src(%arg9 : memref<128x128xf32, #tpu.memory_space<vmem>>) dst(%dma_wait3A_41 : memref<128x128xf32, #tpu.memory_space<hbm>>)
      tpu.yield
    }) : () -> ()
    %add3A_30 = arith.constant 512 : i32
    %add3A_31 = arith.addi %mul3A_0, %add3A_30 : i32
    "tpu.region"() ({
      %run_scoped3A = tpu.sem_alloc : memref<!tpu.dma_semaphore, #tpu.memory_space<semaphore_mem>>
      %dma_start3A = arith.constant 0 : i32
      %dma_start3A_32 = tpu.memref_slice %arg10[%add3A_31, %dma_start3A] : memref<10240x128xf32, #tpu.memory_space<vmem_shared>> -> memref<128x128xf32, #tpu.memory_space<vmem_shared>>
      %dma_start3A_33 = arith.constant 0 : i32
      %dma_start3A_34 = tpu.memref_slice %arg10[%add3A_31, %dma_start3A_33] : memref<10240x128xf32, #tpu.memory_space<vmem_shared>> -> memref<128x128xf32, #tpu.memory_space<vmem_shared>>
      tpu.enqueue_dma source(%dma_start3A_34 : memref<128x128xf32, #tpu.memory_space<vmem_shared>>) target(%arg9 : memref<128x128xf32, #tpu.memory_space<vmem>>) target_semaphore(%run_scoped3A : memref<!tpu.dma_semaphore, #tpu.memory_space<semaphore_mem>>)
      %dma_wait3A = arith.constant 0 : i32
      %dma_wait3A_35 = tpu.memref_slice %arg10[%add3A_31, %dma_wait3A] : memref<10240x128xf32, #tpu.memory_space<vmem_shared>> -> memref<128x128xf32, #tpu.memory_space<vmem_shared>>
      %dma_wait3A_36 = arith.constant 0 : i32
      %dma_wait3A_37 = tpu.memref_slice %arg10[%add3A_31, %dma_wait3A_36] : memref<10240x128xf32, #tpu.memory_space<vmem_shared>> -> memref<128x128xf32, #tpu.memory_space<vmem_shared>>
      tpu.wait_dma2 semaphore(%run_scoped3A : memref<!tpu.dma_semaphore, #tpu.memory_space<semaphore_mem>>) src(%dma_wait3A_37 : memref<128x128xf32, #tpu.memory_space<vmem_shared>>) dst(%arg9 : memref<128x128xf32, #tpu.memory_space<vmem>>)
      tpu.yield
    }) : () -> ()
    "tpu.region"() ({
      %run_scoped3A = tpu.sem_alloc : memref<!tpu.dma_semaphore, #tpu.memory_space<semaphore_mem>>
      %dma_start3A = arith.constant 0 : i32
      %dma_start3A_32 = tpu.memref_slice %arg6[%arg0, %add3A_31, %dma_start3A] : memref<2x10240x128xf32, #tpu.memory_space<hbm>> -> memref<1x128x128xf32, #tpu.memory_space<hbm>>
      %dma_start3A_33 = tpu.memref_squeeze %dma_start3A_32 : memref<1x128x128xf32, #tpu.memory_space<hbm>> -> memref<128x128xf32, #tpu.memory_space<hbm>>
      %dma_start3A_34 = arith.constant 0 : i32
      %dma_start3A_35 = tpu.memref_slice %arg6[%arg0, %add3A_31, %dma_start3A_34] : memref<2x10240x128xf32, #tpu.memory_space<hbm>> -> memref<1x128x128xf32, #tpu.memory_space<hbm>>
      %dma_start3A_36 = tpu.memref_squeeze %dma_start3A_35 : memref<1x128x128xf32, #tpu.memory_space<hbm>> -> memref<128x128xf32, #tpu.memory_space<hbm>>
      tpu.enqueue_dma source(%arg9 : memref<128x128xf32, #tpu.memory_space<vmem>>) target(%dma_start3A_36 : memref<128x128xf32, #tpu.memory_space<hbm>>) target_semaphore(%run_scoped3A : memref<!tpu.dma_semaphore, #tpu.memory_space<semaphore_mem>>)
      %dma_wait3A = arith.constant 0 : i32
      %dma_wait3A_37 = tpu.memref_slice %arg6[%arg0, %add3A_31, %dma_wait3A] : memref<2x10240x128xf32, #tpu.memory_space<hbm>> -> memref<1x128x128xf32, #tpu.memory_space<hbm>>
      %dma_wait3A_38 = tpu.memref_squeeze %dma_wait3A_37 : memref<1x128x128xf32, #tpu.memory_space<hbm>> -> memref<128x128xf32, #tpu.memory_space<hbm>>
      %dma_wait3A_39 = arith.constant 0 : i32
      %dma_wait3A_40 = tpu.memref_slice %arg6[%arg0, %add3A_31, %dma_wait3A_39] : memref<2x10240x128xf32, #tpu.memory_space<hbm>> -> memref<1x128x128xf32, #tpu.memory_space<hbm>>
      %dma_wait3A_41 = tpu.memref_squeeze %dma_wait3A_40 : memref<1x128x128xf32, #tpu.memory_space<hbm>> -> memref<128x128xf32, #tpu.memory_space<hbm>>
      tpu.wait_dma2 semaphore(%run_scoped3A : memref<!tpu.dma_semaphore, #tpu.memory_space<semaphore_mem>>) src(%arg9 : memref<128x128xf32, #tpu.memory_space<vmem>>) dst(%dma_wait3A_41 : memref<128x128xf32, #tpu.memory_space<hbm>>)
      tpu.yield
    }) : () -> ()
    return
  }
}

#map = affine_map<(d0, d1) -> (0, 0)>
#map1 = affine_map<(d0, d1) -> (0)>
#map2 = affine_map<(d0, d1) -> (0, 0, 0)>
module attributes {stable_mosaic.version = 14 : i64} {
  func.func @agg_kernel(%arg0: i32, %arg1: i32, %arg2: memref<10240x128xf32, #tpu.memory_space<hbm>>, %arg3: memref<323584xi32, #tpu.memory_space<hbm>>, %arg4: memref<323584xi32, #tpu.memory_space<hbm>>, %arg5: memref<128x128xf32, #tpu.memory_space<hbm>>, %arg6: memref<2x10240x128xf32, #tpu.memory_space<hbm>>, %arg7: memref<128xi32, #tpu.memory_space<vmem>>, %arg8: memref<128xi32, #tpu.memory_space<vmem>>, %arg9: memref<128x128xf32, #tpu.memory_space<vmem>>, %arg10: memref<10240x128xf32, #tpu.memory_space<vmem_shared>>, %arg11: memref<!tpu.dma_semaphore, #tpu.memory_space<semaphore_mem>>) attributes {dimension_semantics = [#tpu.dimension_semantics<core_parallel>, #tpu.dimension_semantics<subcore_parallel>], iteration_bounds = array<i64: 2, 16>, scalar_prefetch = 0 : i64, scratch_operands = 5 : i64, tpu.core_type = #tpu.core_type<sc_vector_subcore>, window_params = [{transform_indices = #map}, {transform_indices = #map1}, {transform_indices = #map1}, {transform_indices = #map}, {transform_indices = #map2}]} {
    %mul3A = arith.constant 640 : i32
    %mul3A_0 = arith.muli %arg1, %mul3A : i32
    "tpu.region"() ({
      %run_scoped3A = tpu.sem_alloc : memref<!tpu.dma_semaphore, #tpu.memory_space<semaphore_mem>>
      tpu.enqueue_dma source(%arg5 : memref<128x128xf32, #tpu.memory_space<hbm>>) target(%arg9 : memref<128x128xf32, #tpu.memory_space<vmem>>) target_semaphore(%run_scoped3A : memref<!tpu.dma_semaphore, #tpu.memory_space<semaphore_mem>>)
      tpu.wait_dma2 semaphore(%run_scoped3A : memref<!tpu.dma_semaphore, #tpu.memory_space<semaphore_mem>>) src(%arg5 : memref<128x128xf32, #tpu.memory_space<hbm>>) dst(%arg9 : memref<128x128xf32, #tpu.memory_space<vmem>>)
      tpu.yield
    }) : () -> ()
    %add3A = arith.constant 0 : i32
    %add3A_1 = arith.addi %mul3A_0, %add3A : i32
    "tpu.region"() ({
      %run_scoped3A = tpu.sem_alloc : memref<!tpu.dma_semaphore, #tpu.memory_space<semaphore_mem>>
      %dma_start3A = arith.constant 0 : i32
      %dma_start3A_34 = tpu.memref_slice %arg10[%add3A_1, %dma_start3A] : memref<10240x128xf32, #tpu.memory_space<vmem_shared>> -> memref<128x128xf32, #tpu.memory_space<vmem_shared>>
      %dma_start3A_35 = arith.constant 0 : i32
      %dma_start3A_36 = tpu.memref_slice %arg10[%add3A_1, %dma_start3A_35] : memref<10240x128xf32, #tpu.memory_space<vmem_shared>> -> memref<128x128xf32, #tpu.memory_space<vmem_shared>>
      tpu.enqueue_dma source(%arg9 : memref<128x128xf32, #tpu.memory_space<vmem>>) target(%dma_start3A_36 : memref<128x128xf32, #tpu.memory_space<vmem_shared>>) target_semaphore(%run_scoped3A : memref<!tpu.dma_semaphore, #tpu.memory_space<semaphore_mem>>)
      %dma_wait3A = arith.constant 0 : i32
      %dma_wait3A_37 = tpu.memref_slice %arg10[%add3A_1, %dma_wait3A] : memref<10240x128xf32, #tpu.memory_space<vmem_shared>> -> memref<128x128xf32, #tpu.memory_space<vmem_shared>>
      %dma_wait3A_38 = arith.constant 0 : i32
      %dma_wait3A_39 = tpu.memref_slice %arg10[%add3A_1, %dma_wait3A_38] : memref<10240x128xf32, #tpu.memory_space<vmem_shared>> -> memref<128x128xf32, #tpu.memory_space<vmem_shared>>
      tpu.wait_dma2 semaphore(%run_scoped3A : memref<!tpu.dma_semaphore, #tpu.memory_space<semaphore_mem>>) src(%arg9 : memref<128x128xf32, #tpu.memory_space<vmem>>) dst(%dma_wait3A_39 : memref<128x128xf32, #tpu.memory_space<vmem_shared>>)
      tpu.yield
    }) : () -> ()
    %add3A_2 = arith.constant 128 : i32
    %add3A_3 = arith.addi %mul3A_0, %add3A_2 : i32
    "tpu.region"() ({
      %run_scoped3A = tpu.sem_alloc : memref<!tpu.dma_semaphore, #tpu.memory_space<semaphore_mem>>
      %dma_start3A = arith.constant 0 : i32
      %dma_start3A_34 = tpu.memref_slice %arg10[%add3A_3, %dma_start3A] : memref<10240x128xf32, #tpu.memory_space<vmem_shared>> -> memref<128x128xf32, #tpu.memory_space<vmem_shared>>
      %dma_start3A_35 = arith.constant 0 : i32
      %dma_start3A_36 = tpu.memref_slice %arg10[%add3A_3, %dma_start3A_35] : memref<10240x128xf32, #tpu.memory_space<vmem_shared>> -> memref<128x128xf32, #tpu.memory_space<vmem_shared>>
      tpu.enqueue_dma source(%arg9 : memref<128x128xf32, #tpu.memory_space<vmem>>) target(%dma_start3A_36 : memref<128x128xf32, #tpu.memory_space<vmem_shared>>) target_semaphore(%run_scoped3A : memref<!tpu.dma_semaphore, #tpu.memory_space<semaphore_mem>>)
      %dma_wait3A = arith.constant 0 : i32
      %dma_wait3A_37 = tpu.memref_slice %arg10[%add3A_3, %dma_wait3A] : memref<10240x128xf32, #tpu.memory_space<vmem_shared>> -> memref<128x128xf32, #tpu.memory_space<vmem_shared>>
      %dma_wait3A_38 = arith.constant 0 : i32
      %dma_wait3A_39 = tpu.memref_slice %arg10[%add3A_3, %dma_wait3A_38] : memref<10240x128xf32, #tpu.memory_space<vmem_shared>> -> memref<128x128xf32, #tpu.memory_space<vmem_shared>>
      tpu.wait_dma2 semaphore(%run_scoped3A : memref<!tpu.dma_semaphore, #tpu.memory_space<semaphore_mem>>) src(%arg9 : memref<128x128xf32, #tpu.memory_space<vmem>>) dst(%dma_wait3A_39 : memref<128x128xf32, #tpu.memory_space<vmem_shared>>)
      tpu.yield
    }) : () -> ()
    %add3A_4 = arith.constant 256 : i32
    %add3A_5 = arith.addi %mul3A_0, %add3A_4 : i32
    "tpu.region"() ({
      %run_scoped3A = tpu.sem_alloc : memref<!tpu.dma_semaphore, #tpu.memory_space<semaphore_mem>>
      %dma_start3A = arith.constant 0 : i32
      %dma_start3A_34 = tpu.memref_slice %arg10[%add3A_5, %dma_start3A] : memref<10240x128xf32, #tpu.memory_space<vmem_shared>> -> memref<128x128xf32, #tpu.memory_space<vmem_shared>>
      %dma_start3A_35 = arith.constant 0 : i32
      %dma_start3A_36 = tpu.memref_slice %arg10[%add3A_5, %dma_start3A_35] : memref<10240x128xf32, #tpu.memory_space<vmem_shared>> -> memref<128x128xf32, #tpu.memory_space<vmem_shared>>
      tpu.enqueue_dma source(%arg9 : memref<128x128xf32, #tpu.memory_space<vmem>>) target(%dma_start3A_36 : memref<128x128xf32, #tpu.memory_space<vmem_shared>>) target_semaphore(%run_scoped3A : memref<!tpu.dma_semaphore, #tpu.memory_space<semaphore_mem>>)
      %dma_wait3A = arith.constant 0 : i32
      %dma_wait3A_37 = tpu.memref_slice %arg10[%add3A_5, %dma_wait3A] : memref<10240x128xf32, #tpu.memory_space<vmem_shared>> -> memref<128x128xf32, #tpu.memory_space<vmem_shared>>
      %dma_wait3A_38 = arith.constant 0 : i32
      %dma_wait3A_39 = tpu.memref_slice %arg10[%add3A_5, %dma_wait3A_38] : memref<10240x128xf32, #tpu.memory_space<vmem_shared>> -> memref<128x128xf32, #tpu.memory_space<vmem_shared>>
      tpu.wait_dma2 semaphore(%run_scoped3A : memref<!tpu.dma_semaphore, #tpu.memory_space<semaphore_mem>>) src(%arg9 : memref<128x128xf32, #tpu.memory_space<vmem>>) dst(%dma_wait3A_39 : memref<128x128xf32, #tpu.memory_space<vmem_shared>>)
      tpu.yield
    }) : () -> ()
    %add3A_6 = arith.constant 384 : i32
    %add3A_7 = arith.addi %mul3A_0, %add3A_6 : i32
    "tpu.region"() ({
      %run_scoped3A = tpu.sem_alloc : memref<!tpu.dma_semaphore, #tpu.memory_space<semaphore_mem>>
      %dma_start3A = arith.constant 0 : i32
      %dma_start3A_34 = tpu.memref_slice %arg10[%add3A_7, %dma_start3A] : memref<10240x128xf32, #tpu.memory_space<vmem_shared>> -> memref<128x128xf32, #tpu.memory_space<vmem_shared>>
      %dma_start3A_35 = arith.constant 0 : i32
      %dma_start3A_36 = tpu.memref_slice %arg10[%add3A_7, %dma_start3A_35] : memref<10240x128xf32, #tpu.memory_space<vmem_shared>> -> memref<128x128xf32, #tpu.memory_space<vmem_shared>>
      tpu.enqueue_dma source(%arg9 : memref<128x128xf32, #tpu.memory_space<vmem>>) target(%dma_start3A_36 : memref<128x128xf32, #tpu.memory_space<vmem_shared>>) target_semaphore(%run_scoped3A : memref<!tpu.dma_semaphore, #tpu.memory_space<semaphore_mem>>)
      %dma_wait3A = arith.constant 0 : i32
      %dma_wait3A_37 = tpu.memref_slice %arg10[%add3A_7, %dma_wait3A] : memref<10240x128xf32, #tpu.memory_space<vmem_shared>> -> memref<128x128xf32, #tpu.memory_space<vmem_shared>>
      %dma_wait3A_38 = arith.constant 0 : i32
      %dma_wait3A_39 = tpu.memref_slice %arg10[%add3A_7, %dma_wait3A_38] : memref<10240x128xf32, #tpu.memory_space<vmem_shared>> -> memref<128x128xf32, #tpu.memory_space<vmem_shared>>
      tpu.wait_dma2 semaphore(%run_scoped3A : memref<!tpu.dma_semaphore, #tpu.memory_space<semaphore_mem>>) src(%arg9 : memref<128x128xf32, #tpu.memory_space<vmem>>) dst(%dma_wait3A_39 : memref<128x128xf32, #tpu.memory_space<vmem_shared>>)
      tpu.yield
    }) : () -> ()
    %add3A_8 = arith.constant 512 : i32
    %add3A_9 = arith.addi %mul3A_0, %add3A_8 : i32
    "tpu.region"() ({
      %run_scoped3A = tpu.sem_alloc : memref<!tpu.dma_semaphore, #tpu.memory_space<semaphore_mem>>
      %dma_start3A = arith.constant 0 : i32
      %dma_start3A_34 = tpu.memref_slice %arg10[%add3A_9, %dma_start3A] : memref<10240x128xf32, #tpu.memory_space<vmem_shared>> -> memref<128x128xf32, #tpu.memory_space<vmem_shared>>
      %dma_start3A_35 = arith.constant 0 : i32
      %dma_start3A_36 = tpu.memref_slice %arg10[%add3A_9, %dma_start3A_35] : memref<10240x128xf32, #tpu.memory_space<vmem_shared>> -> memref<128x128xf32, #tpu.memory_space<vmem_shared>>
      tpu.enqueue_dma source(%arg9 : memref<128x128xf32, #tpu.memory_space<vmem>>) target(%dma_start3A_36 : memref<128x128xf32, #tpu.memory_space<vmem_shared>>) target_semaphore(%run_scoped3A : memref<!tpu.dma_semaphore, #tpu.memory_space<semaphore_mem>>)
      %dma_wait3A = arith.constant 0 : i32
      %dma_wait3A_37 = tpu.memref_slice %arg10[%add3A_9, %dma_wait3A] : memref<10240x128xf32, #tpu.memory_space<vmem_shared>> -> memref<128x128xf32, #tpu.memory_space<vmem_shared>>
      %dma_wait3A_38 = arith.constant 0 : i32
      %dma_wait3A_39 = tpu.memref_slice %arg10[%add3A_9, %dma_wait3A_38] : memref<10240x128xf32, #tpu.memory_space<vmem_shared>> -> memref<128x128xf32, #tpu.memory_space<vmem_shared>>
      tpu.wait_dma2 semaphore(%run_scoped3A : memref<!tpu.dma_semaphore, #tpu.memory_space<semaphore_mem>>) src(%arg9 : memref<128x128xf32, #tpu.memory_space<vmem>>) dst(%dma_wait3A_39 : memref<128x128xf32, #tpu.memory_space<vmem_shared>>)
      tpu.yield
    }) : () -> ()
    %barrier3A = arith.constant 0 : index
    tpu.barrier barrier_id(%barrier3A)
    %mul3A_10 = arith.constant 2 : i32
    %mul3A_11 = arith.muli %arg1, %mul3A_10 : i32
    %add3A_12 = arith.addi %mul3A_11, %arg0 : i32
    %mul3A_13 = arith.constant 79 : i32
    %mul3A_14 = arith.muli %add3A_12, %mul3A_13 : i32
    %mul3A_15 = arith.constant 128 : i32
    %mul3A_16 = arith.muli %mul3A_14, %mul3A_15 : i32
    %scan3A = arith.constant 0 : i32
    %scan3A_17 = arith.constant 0 : i32
    %scan3A_18 = arith.constant 79 : i32
    %scan3A_19 = arith.addi %scan3A_17, %scan3A_18 : i32
    %scan3A_20 = arith.constant 1 : i32
    %scan3A_21 = scf.for %scan3A_34 = %scan3A_17 to %scan3A_19 step %scan3A_20 iter_args(%scan3A_35 = %scan3A) -> (i32)  : i32 {
      %mul3A_36 = arith.constant 128 : i32
      %mul3A_37 = arith.muli %scan3A_34, %mul3A_36 : i32
      %add3A_38 = arith.addi %mul3A_16, %mul3A_37 : i32
      %multiple_of3A = tpu.assume_multiple %add3A_38, 128 : i32
      "tpu.region"() ({
        %run_scoped3A = tpu.sem_alloc : memref<!tpu.dma_semaphore, #tpu.memory_space<semaphore_mem>>
        %dma_start3A_44 = tpu.memref_slice %arg3[%multiple_of3A] : memref<323584xi32, #tpu.memory_space<hbm>> -> memref<128xi32, #tpu.memory_space<hbm>>
        %dma_start3A_45 = tpu.memref_slice %arg3[%multiple_of3A] : memref<323584xi32, #tpu.memory_space<hbm>> -> memref<128xi32, #tpu.memory_space<hbm>>
        tpu.enqueue_dma source(%dma_start3A_45 : memref<128xi32, #tpu.memory_space<hbm>>) target(%arg7 : memref<128xi32, #tpu.memory_space<vmem>>) target_semaphore(%run_scoped3A : memref<!tpu.dma_semaphore, #tpu.memory_space<semaphore_mem>>)
        %dma_wait3A_46 = tpu.memref_slice %arg3[%multiple_of3A] : memref<323584xi32, #tpu.memory_space<hbm>> -> memref<128xi32, #tpu.memory_space<hbm>>
        %dma_wait3A_47 = tpu.memref_slice %arg3[%multiple_of3A] : memref<323584xi32, #tpu.memory_space<hbm>> -> memref<128xi32, #tpu.memory_space<hbm>>
        tpu.wait_dma2 semaphore(%run_scoped3A : memref<!tpu.dma_semaphore, #tpu.memory_space<semaphore_mem>>) src(%dma_wait3A_47 : memref<128xi32, #tpu.memory_space<hbm>>) dst(%arg7 : memref<128xi32, #tpu.memory_space<vmem>>)
        tpu.yield
      }) : () -> ()
      "tpu.region"() ({
        %run_scoped3A = tpu.sem_alloc : memref<!tpu.dma_semaphore, #tpu.memory_space<semaphore_mem>>
        %dma_start3A_44 = tpu.memref_slice %arg4[%multiple_of3A] : memref<323584xi32, #tpu.memory_space<hbm>> -> memref<128xi32, #tpu.memory_space<hbm>>
        %dma_start3A_45 = tpu.memref_slice %arg4[%multiple_of3A] : memref<323584xi32, #tpu.memory_space<hbm>> -> memref<128xi32, #tpu.memory_space<hbm>>
        tpu.enqueue_dma source(%dma_start3A_45 : memref<128xi32, #tpu.memory_space<hbm>>) target(%arg8 : memref<128xi32, #tpu.memory_space<vmem>>) target_semaphore(%run_scoped3A : memref<!tpu.dma_semaphore, #tpu.memory_space<semaphore_mem>>)
        %dma_wait3A_46 = tpu.memref_slice %arg4[%multiple_of3A] : memref<323584xi32, #tpu.memory_space<hbm>> -> memref<128xi32, #tpu.memory_space<hbm>>
        %dma_wait3A_47 = tpu.memref_slice %arg4[%multiple_of3A] : memref<323584xi32, #tpu.memory_space<hbm>> -> memref<128xi32, #tpu.memory_space<hbm>>
        tpu.wait_dma2 semaphore(%run_scoped3A : memref<!tpu.dma_semaphore, #tpu.memory_space<semaphore_mem>>) src(%dma_wait3A_47 : memref<128xi32, #tpu.memory_space<hbm>>) dst(%arg8 : memref<128xi32, #tpu.memory_space<vmem>>)
        tpu.yield
      }) : () -> ()
      %dma_start3A = arith.constant 0 : i32
      %dma_start3A_39 = arith.constant 0 : i32
      %dma_start3A_40 = tpu.memref_slice %arg2[%dma_start3A, %dma_start3A_39] : memref<10240x128xf32, #tpu.memory_space<hbm>> -> memref<10240x128xf32, #tpu.memory_space<hbm>>
      tpu.enqueue_indirect_dma source(%dma_start3A_40 : memref<10240x128xf32, #tpu.memory_space<hbm>>) target(%arg9 : memref<128x128xf32, #tpu.memory_space<vmem>>) offsets(%arg7 : memref<128xi32, #tpu.memory_space<vmem>>) semaphore(%arg11 : memref<!tpu.dma_semaphore, #tpu.memory_space<semaphore_mem>>)
      %dma_wait3A = arith.constant 0 : i32
      %dma_wait3A_41 = arith.constant 0 : i32
      %dma_wait3A_42 = tpu.memref_slice %arg2[%dma_wait3A, %dma_wait3A_41] : memref<10240x128xf32, #tpu.memory_space<hbm>> -> memref<10240x128xf32, #tpu.memory_space<hbm>>
      tpu.wait_indirect_dma semaphore(%arg11 : memref<!tpu.dma_semaphore, #tpu.memory_space<semaphore_mem>>) src(%dma_wait3A_42 : memref<10240x128xf32, #tpu.memory_space<hbm>>) dst(%arg9 : memref<128x128xf32, #tpu.memory_space<vmem>>)
      "tpu.region"() ({
        %run_scoped3A = tpu.sem_alloc : memref<!tpu.dma_semaphore, #tpu.memory_space<semaphore_mem>>
        %dma_start3A_44 = arith.constant 0 : i32
        %dma_start3A_45 = arith.constant 0 : i32
        %dma_start3A_46 = tpu.memref_slice %arg10[%dma_start3A_44, %dma_start3A_45] : memref<10240x128xf32, #tpu.memory_space<vmem_shared>> -> memref<10240x128xf32, #tpu.memory_space<vmem_shared>>
        tpu.enqueue_indirect_dma source(%arg9 : memref<128x128xf32, #tpu.memory_space<vmem>>) target(%dma_start3A_46 : memref<10240x128xf32, #tpu.memory_space<vmem_shared>>) offsets(%arg8 : memref<128xi32, #tpu.memory_space<vmem>>) semaphore(%run_scoped3A : memref<!tpu.dma_semaphore, #tpu.memory_space<semaphore_mem>>) {add = true}
        %dma_wait3A_47 = arith.constant 0 : i32
        %dma_wait3A_48 = arith.constant 0 : i32
        %dma_wait3A_49 = tpu.memref_slice %arg10[%dma_wait3A_47, %dma_wait3A_48] : memref<10240x128xf32, #tpu.memory_space<vmem_shared>> -> memref<10240x128xf32, #tpu.memory_space<vmem_shared>>
        tpu.wait_indirect_dma semaphore(%run_scoped3A : memref<!tpu.dma_semaphore, #tpu.memory_space<semaphore_mem>>) src(%arg9 : memref<128x128xf32, #tpu.memory_space<vmem>>) dst(%dma_wait3A_49 : memref<10240x128xf32, #tpu.memory_space<vmem_shared>>)
        tpu.yield
      }) : () -> ()
      %scan3A_43 = arith.constant 0 : i32
      scf.yield %scan3A_43 : i32
    }
    %scan3A_22 = arith.constant 79 : i32
    %barrier3A_23 = arith.constant 0 : index
    tpu.barrier barrier_id(%barrier3A_23)
    %add3A_24 = arith.constant 0 : i32
    %add3A_25 = arith.addi %mul3A_0, %add3A_24 : i32
    "tpu.region"() ({
      %run_scoped3A = tpu.sem_alloc : memref<!tpu.dma_semaphore, #tpu.memory_space<semaphore_mem>>
      %dma_start3A = arith.constant 0 : i32
      %dma_start3A_34 = tpu.memref_slice %arg10[%add3A_25, %dma_start3A] : memref<10240x128xf32, #tpu.memory_space<vmem_shared>> -> memref<128x128xf32, #tpu.memory_space<vmem_shared>>
      %dma_start3A_35 = arith.constant 0 : i32
      %dma_start3A_36 = tpu.memref_slice %arg10[%add3A_25, %dma_start3A_35] : memref<10240x128xf32, #tpu.memory_space<vmem_shared>> -> memref<128x128xf32, #tpu.memory_space<vmem_shared>>
      tpu.enqueue_dma source(%dma_start3A_36 : memref<128x128xf32, #tpu.memory_space<vmem_shared>>) target(%arg9 : memref<128x128xf32, #tpu.memory_space<vmem>>) target_semaphore(%run_scoped3A : memref<!tpu.dma_semaphore, #tpu.memory_space<semaphore_mem>>)
      %dma_wait3A = arith.constant 0 : i32
      %dma_wait3A_37 = tpu.memref_slice %arg10[%add3A_25, %dma_wait3A] : memref<10240x128xf32, #tpu.memory_space<vmem_shared>> -> memref<128x128xf32, #tpu.memory_space<vmem_shared>>
      %dma_wait3A_38 = arith.constant 0 : i32
      %dma_wait3A_39 = tpu.memref_slice %arg10[%add3A_25, %dma_wait3A_38] : memref<10240x128xf32, #tpu.memory_space<vmem_shared>> -> memref<128x128xf32, #tpu.memory_space<vmem_shared>>
      tpu.wait_dma2 semaphore(%run_scoped3A : memref<!tpu.dma_semaphore, #tpu.memory_space<semaphore_mem>>) src(%dma_wait3A_39 : memref<128x128xf32, #tpu.memory_space<vmem_shared>>) dst(%arg9 : memref<128x128xf32, #tpu.memory_space<vmem>>)
      tpu.yield
    }) : () -> ()
    "tpu.region"() ({
      %run_scoped3A = tpu.sem_alloc : memref<!tpu.dma_semaphore, #tpu.memory_space<semaphore_mem>>
      %dma_start3A = arith.constant 0 : i32
      %dma_start3A_34 = tpu.memref_slice %arg6[%arg0, %add3A_25, %dma_start3A] : memref<2x10240x128xf32, #tpu.memory_space<hbm>> -> memref<1x128x128xf32, #tpu.memory_space<hbm>>
      %dma_start3A_35 = tpu.memref_squeeze %dma_start3A_34 : memref<1x128x128xf32, #tpu.memory_space<hbm>> -> memref<128x128xf32, #tpu.memory_space<hbm>>
      %dma_start3A_36 = arith.constant 0 : i32
      %dma_start3A_37 = tpu.memref_slice %arg6[%arg0, %add3A_25, %dma_start3A_36] : memref<2x10240x128xf32, #tpu.memory_space<hbm>> -> memref<1x128x128xf32, #tpu.memory_space<hbm>>
      %dma_start3A_38 = tpu.memref_squeeze %dma_start3A_37 : memref<1x128x128xf32, #tpu.memory_space<hbm>> -> memref<128x128xf32, #tpu.memory_space<hbm>>
      tpu.enqueue_dma source(%arg9 : memref<128x128xf32, #tpu.memory_space<vmem>>) target(%dma_start3A_38 : memref<128x128xf32, #tpu.memory_space<hbm>>) target_semaphore(%run_scoped3A : memref<!tpu.dma_semaphore, #tpu.memory_space<semaphore_mem>>)
      %dma_wait3A = arith.constant 0 : i32
      %dma_wait3A_39 = tpu.memref_slice %arg6[%arg0, %add3A_25, %dma_wait3A] : memref<2x10240x128xf32, #tpu.memory_space<hbm>> -> memref<1x128x128xf32, #tpu.memory_space<hbm>>
      %dma_wait3A_40 = tpu.memref_squeeze %dma_wait3A_39 : memref<1x128x128xf32, #tpu.memory_space<hbm>> -> memref<128x128xf32, #tpu.memory_space<hbm>>
      %dma_wait3A_41 = arith.constant 0 : i32
      %dma_wait3A_42 = tpu.memref_slice %arg6[%arg0, %add3A_25, %dma_wait3A_41] : memref<2x10240x128xf32, #tpu.memory_space<hbm>> -> memref<1x128x128xf32, #tpu.memory_space<hbm>>
      %dma_wait3A_43 = tpu.memref_squeeze %dma_wait3A_42 : memref<1x128x128xf32, #tpu.memory_space<hbm>> -> memref<128x128xf32, #tpu.memory_space<hbm>>
      tpu.wait_dma2 semaphore(%run_scoped3A : memref<!tpu.dma_semaphore, #tpu.memory_space<semaphore_mem>>) src(%arg9 : memref<128x128xf32, #tpu.memory_space<vmem>>) dst(%dma_wait3A_43 : memref<128x128xf32, #tpu.memory_space<hbm>>)
      tpu.yield
    }) : () -> ()
    %add3A_26 = arith.constant 128 : i32
    %add3A_27 = arith.addi %mul3A_0, %add3A_26 : i32
    "tpu.region"() ({
      %run_scoped3A = tpu.sem_alloc : memref<!tpu.dma_semaphore, #tpu.memory_space<semaphore_mem>>
      %dma_start3A = arith.constant 0 : i32
      %dma_start3A_34 = tpu.memref_slice %arg10[%add3A_27, %dma_start3A] : memref<10240x128xf32, #tpu.memory_space<vmem_shared>> -> memref<128x128xf32, #tpu.memory_space<vmem_shared>>
      %dma_start3A_35 = arith.constant 0 : i32
      %dma_start3A_36 = tpu.memref_slice %arg10[%add3A_27, %dma_start3A_35] : memref<10240x128xf32, #tpu.memory_space<vmem_shared>> -> memref<128x128xf32, #tpu.memory_space<vmem_shared>>
      tpu.enqueue_dma source(%dma_start3A_36 : memref<128x128xf32, #tpu.memory_space<vmem_shared>>) target(%arg9 : memref<128x128xf32, #tpu.memory_space<vmem>>) target_semaphore(%run_scoped3A : memref<!tpu.dma_semaphore, #tpu.memory_space<semaphore_mem>>)
      %dma_wait3A = arith.constant 0 : i32
      %dma_wait3A_37 = tpu.memref_slice %arg10[%add3A_27, %dma_wait3A] : memref<10240x128xf32, #tpu.memory_space<vmem_shared>> -> memref<128x128xf32, #tpu.memory_space<vmem_shared>>
      %dma_wait3A_38 = arith.constant 0 : i32
      %dma_wait3A_39 = tpu.memref_slice %arg10[%add3A_27, %dma_wait3A_38] : memref<10240x128xf32, #tpu.memory_space<vmem_shared>> -> memref<128x128xf32, #tpu.memory_space<vmem_shared>>
      tpu.wait_dma2 semaphore(%run_scoped3A : memref<!tpu.dma_semaphore, #tpu.memory_space<semaphore_mem>>) src(%dma_wait3A_39 : memref<128x128xf32, #tpu.memory_space<vmem_shared>>) dst(%arg9 : memref<128x128xf32, #tpu.memory_space<vmem>>)
      tpu.yield
    }) : () -> ()
    "tpu.region"() ({
      %run_scoped3A = tpu.sem_alloc : memref<!tpu.dma_semaphore, #tpu.memory_space<semaphore_mem>>
      %dma_start3A = arith.constant 0 : i32
      %dma_start3A_34 = tpu.memref_slice %arg6[%arg0, %add3A_27, %dma_start3A] : memref<2x10240x128xf32, #tpu.memory_space<hbm>> -> memref<1x128x128xf32, #tpu.memory_space<hbm>>
      %dma_start3A_35 = tpu.memref_squeeze %dma_start3A_34 : memref<1x128x128xf32, #tpu.memory_space<hbm>> -> memref<128x128xf32, #tpu.memory_space<hbm>>
      %dma_start3A_36 = arith.constant 0 : i32
      %dma_start3A_37 = tpu.memref_slice %arg6[%arg0, %add3A_27, %dma_start3A_36] : memref<2x10240x128xf32, #tpu.memory_space<hbm>> -> memref<1x128x128xf32, #tpu.memory_space<hbm>>
      %dma_start3A_38 = tpu.memref_squeeze %dma_start3A_37 : memref<1x128x128xf32, #tpu.memory_space<hbm>> -> memref<128x128xf32, #tpu.memory_space<hbm>>
      tpu.enqueue_dma source(%arg9 : memref<128x128xf32, #tpu.memory_space<vmem>>) target(%dma_start3A_38 : memref<128x128xf32, #tpu.memory_space<hbm>>) target_semaphore(%run_scoped3A : memref<!tpu.dma_semaphore, #tpu.memory_space<semaphore_mem>>)
      %dma_wait3A = arith.constant 0 : i32
      %dma_wait3A_39 = tpu.memref_slice %arg6[%arg0, %add3A_27, %dma_wait3A] : memref<2x10240x128xf32, #tpu.memory_space<hbm>> -> memref<1x128x128xf32, #tpu.memory_space<hbm>>
      %dma_wait3A_40 = tpu.memref_squeeze %dma_wait3A_39 : memref<1x128x128xf32, #tpu.memory_space<hbm>> -> memref<128x128xf32, #tpu.memory_space<hbm>>
      %dma_wait3A_41 = arith.constant 0 : i32
      %dma_wait3A_42 = tpu.memref_slice %arg6[%arg0, %add3A_27, %dma_wait3A_41] : memref<2x10240x128xf32, #tpu.memory_space<hbm>> -> memref<1x128x128xf32, #tpu.memory_space<hbm>>
      %dma_wait3A_43 = tpu.memref_squeeze %dma_wait3A_42 : memref<1x128x128xf32, #tpu.memory_space<hbm>> -> memref<128x128xf32, #tpu.memory_space<hbm>>
      tpu.wait_dma2 semaphore(%run_scoped3A : memref<!tpu.dma_semaphore, #tpu.memory_space<semaphore_mem>>) src(%arg9 : memref<128x128xf32, #tpu.memory_space<vmem>>) dst(%dma_wait3A_43 : memref<128x128xf32, #tpu.memory_space<hbm>>)
      tpu.yield
    }) : () -> ()
    %add3A_28 = arith.constant 256 : i32
    %add3A_29 = arith.addi %mul3A_0, %add3A_28 : i32
    "tpu.region"() ({
      %run_scoped3A = tpu.sem_alloc : memref<!tpu.dma_semaphore, #tpu.memory_space<semaphore_mem>>
      %dma_start3A = arith.constant 0 : i32
      %dma_start3A_34 = tpu.memref_slice %arg10[%add3A_29, %dma_start3A] : memref<10240x128xf32, #tpu.memory_space<vmem_shared>> -> memref<128x128xf32, #tpu.memory_space<vmem_shared>>
      %dma_start3A_35 = arith.constant 0 : i32
      %dma_start3A_36 = tpu.memref_slice %arg10[%add3A_29, %dma_start3A_35] : memref<10240x128xf32, #tpu.memory_space<vmem_shared>> -> memref<128x128xf32, #tpu.memory_space<vmem_shared>>
      tpu.enqueue_dma source(%dma_start3A_36 : memref<128x128xf32, #tpu.memory_space<vmem_shared>>) target(%arg9 : memref<128x128xf32, #tpu.memory_space<vmem>>) target_semaphore(%run_scoped3A : memref<!tpu.dma_semaphore, #tpu.memory_space<semaphore_mem>>)
      %dma_wait3A = arith.constant 0 : i32
      %dma_wait3A_37 = tpu.memref_slice %arg10[%add3A_29, %dma_wait3A] : memref<10240x128xf32, #tpu.memory_space<vmem_shared>> -> memref<128x128xf32, #tpu.memory_space<vmem_shared>>
      %dma_wait3A_38 = arith.constant 0 : i32
      %dma_wait3A_39 = tpu.memref_slice %arg10[%add3A_29, %dma_wait3A_38] : memref<10240x128xf32, #tpu.memory_space<vmem_shared>> -> memref<128x128xf32, #tpu.memory_space<vmem_shared>>
      tpu.wait_dma2 semaphore(%run_scoped3A : memref<!tpu.dma_semaphore, #tpu.memory_space<semaphore_mem>>) src(%dma_wait3A_39 : memref<128x128xf32, #tpu.memory_space<vmem_shared>>) dst(%arg9 : memref<128x128xf32, #tpu.memory_space<vmem>>)
      tpu.yield
    }) : () -> ()
    "tpu.region"() ({
      %run_scoped3A = tpu.sem_alloc : memref<!tpu.dma_semaphore, #tpu.memory_space<semaphore_mem>>
      %dma_start3A = arith.constant 0 : i32
      %dma_start3A_34 = tpu.memref_slice %arg6[%arg0, %add3A_29, %dma_start3A] : memref<2x10240x128xf32, #tpu.memory_space<hbm>> -> memref<1x128x128xf32, #tpu.memory_space<hbm>>
      %dma_start3A_35 = tpu.memref_squeeze %dma_start3A_34 : memref<1x128x128xf32, #tpu.memory_space<hbm>> -> memref<128x128xf32, #tpu.memory_space<hbm>>
      %dma_start3A_36 = arith.constant 0 : i32
      %dma_start3A_37 = tpu.memref_slice %arg6[%arg0, %add3A_29, %dma_start3A_36] : memref<2x10240x128xf32, #tpu.memory_space<hbm>> -> memref<1x128x128xf32, #tpu.memory_space<hbm>>
      %dma_start3A_38 = tpu.memref_squeeze %dma_start3A_37 : memref<1x128x128xf32, #tpu.memory_space<hbm>> -> memref<128x128xf32, #tpu.memory_space<hbm>>
      tpu.enqueue_dma source(%arg9 : memref<128x128xf32, #tpu.memory_space<vmem>>) target(%dma_start3A_38 : memref<128x128xf32, #tpu.memory_space<hbm>>) target_semaphore(%run_scoped3A : memref<!tpu.dma_semaphore, #tpu.memory_space<semaphore_mem>>)
      %dma_wait3A = arith.constant 0 : i32
      %dma_wait3A_39 = tpu.memref_slice %arg6[%arg0, %add3A_29, %dma_wait3A] : memref<2x10240x128xf32, #tpu.memory_space<hbm>> -> memref<1x128x128xf32, #tpu.memory_space<hbm>>
      %dma_wait3A_40 = tpu.memref_squeeze %dma_wait3A_39 : memref<1x128x128xf32, #tpu.memory_space<hbm>> -> memref<128x128xf32, #tpu.memory_space<hbm>>
      %dma_wait3A_41 = arith.constant 0 : i32
      %dma_wait3A_42 = tpu.memref_slice %arg6[%arg0, %add3A_29, %dma_wait3A_41] : memref<2x10240x128xf32, #tpu.memory_space<hbm>> -> memref<1x128x128xf32, #tpu.memory_space<hbm>>
      %dma_wait3A_43 = tpu.memref_squeeze %dma_wait3A_42 : memref<1x128x128xf32, #tpu.memory_space<hbm>> -> memref<128x128xf32, #tpu.memory_space<hbm>>
      tpu.wait_dma2 semaphore(%run_scoped3A : memref<!tpu.dma_semaphore, #tpu.memory_space<semaphore_mem>>) src(%arg9 : memref<128x128xf32, #tpu.memory_space<vmem>>) dst(%dma_wait3A_43 : memref<128x128xf32, #tpu.memory_space<hbm>>)
      tpu.yield
    }) : () -> ()
    %add3A_30 = arith.constant 384 : i32
    %add3A_31 = arith.addi %mul3A_0, %add3A_30 : i32
    "tpu.region"() ({
      %run_scoped3A = tpu.sem_alloc : memref<!tpu.dma_semaphore, #tpu.memory_space<semaphore_mem>>
      %dma_start3A = arith.constant 0 : i32
      %dma_start3A_34 = tpu.memref_slice %arg10[%add3A_31, %dma_start3A] : memref<10240x128xf32, #tpu.memory_space<vmem_shared>> -> memref<128x128xf32, #tpu.memory_space<vmem_shared>>
      %dma_start3A_35 = arith.constant 0 : i32
      %dma_start3A_36 = tpu.memref_slice %arg10[%add3A_31, %dma_start3A_35] : memref<10240x128xf32, #tpu.memory_space<vmem_shared>> -> memref<128x128xf32, #tpu.memory_space<vmem_shared>>
      tpu.enqueue_dma source(%dma_start3A_36 : memref<128x128xf32, #tpu.memory_space<vmem_shared>>) target(%arg9 : memref<128x128xf32, #tpu.memory_space<vmem>>) target_semaphore(%run_scoped3A : memref<!tpu.dma_semaphore, #tpu.memory_space<semaphore_mem>>)
      %dma_wait3A = arith.constant 0 : i32
      %dma_wait3A_37 = tpu.memref_slice %arg10[%add3A_31, %dma_wait3A] : memref<10240x128xf32, #tpu.memory_space<vmem_shared>> -> memref<128x128xf32, #tpu.memory_space<vmem_shared>>
      %dma_wait3A_38 = arith.constant 0 : i32
      %dma_wait3A_39 = tpu.memref_slice %arg10[%add3A_31, %dma_wait3A_38] : memref<10240x128xf32, #tpu.memory_space<vmem_shared>> -> memref<128x128xf32, #tpu.memory_space<vmem_shared>>
      tpu.wait_dma2 semaphore(%run_scoped3A : memref<!tpu.dma_semaphore, #tpu.memory_space<semaphore_mem>>) src(%dma_wait3A_39 : memref<128x128xf32, #tpu.memory_space<vmem_shared>>) dst(%arg9 : memref<128x128xf32, #tpu.memory_space<vmem>>)
      tpu.yield
    }) : () -> ()
    "tpu.region"() ({
      %run_scoped3A = tpu.sem_alloc : memref<!tpu.dma_semaphore, #tpu.memory_space<semaphore_mem>>
      %dma_start3A = arith.constant 0 : i32
      %dma_start3A_34 = tpu.memref_slice %arg6[%arg0, %add3A_31, %dma_start3A] : memref<2x10240x128xf32, #tpu.memory_space<hbm>> -> memref<1x128x128xf32, #tpu.memory_space<hbm>>
      %dma_start3A_35 = tpu.memref_squeeze %dma_start3A_34 : memref<1x128x128xf32, #tpu.memory_space<hbm>> -> memref<128x128xf32, #tpu.memory_space<hbm>>
      %dma_start3A_36 = arith.constant 0 : i32
      %dma_start3A_37 = tpu.memref_slice %arg6[%arg0, %add3A_31, %dma_start3A_36] : memref<2x10240x128xf32, #tpu.memory_space<hbm>> -> memref<1x128x128xf32, #tpu.memory_space<hbm>>
      %dma_start3A_38 = tpu.memref_squeeze %dma_start3A_37 : memref<1x128x128xf32, #tpu.memory_space<hbm>> -> memref<128x128xf32, #tpu.memory_space<hbm>>
      tpu.enqueue_dma source(%arg9 : memref<128x128xf32, #tpu.memory_space<vmem>>) target(%dma_start3A_38 : memref<128x128xf32, #tpu.memory_space<hbm>>) target_semaphore(%run_scoped3A : memref<!tpu.dma_semaphore, #tpu.memory_space<semaphore_mem>>)
      %dma_wait3A = arith.constant 0 : i32
      %dma_wait3A_39 = tpu.memref_slice %arg6[%arg0, %add3A_31, %dma_wait3A] : memref<2x10240x128xf32, #tpu.memory_space<hbm>> -> memref<1x128x128xf32, #tpu.memory_space<hbm>>
      %dma_wait3A_40 = tpu.memref_squeeze %dma_wait3A_39 : memref<1x128x128xf32, #tpu.memory_space<hbm>> -> memref<128x128xf32, #tpu.memory_space<hbm>>
      %dma_wait3A_41 = arith.constant 0 : i32
      %dma_wait3A_42 = tpu.memref_slice %arg6[%arg0, %add3A_31, %dma_wait3A_41] : memref<2x10240x128xf32, #tpu.memory_space<hbm>> -> memref<1x128x128xf32, #tpu.memory_space<hbm>>
      %dma_wait3A_43 = tpu.memref_squeeze %dma_wait3A_42 : memref<1x128x128xf32, #tpu.memory_space<hbm>> -> memref<128x128xf32, #tpu.memory_space<hbm>>
      tpu.wait_dma2 semaphore(%run_scoped3A : memref<!tpu.dma_semaphore, #tpu.memory_space<semaphore_mem>>) src(%arg9 : memref<128x128xf32, #tpu.memory_space<vmem>>) dst(%dma_wait3A_43 : memref<128x128xf32, #tpu.memory_space<hbm>>)
      tpu.yield
    }) : () -> ()
    %add3A_32 = arith.constant 512 : i32
    %add3A_33 = arith.addi %mul3A_0, %add3A_32 : i32
    "tpu.region"() ({
      %run_scoped3A = tpu.sem_alloc : memref<!tpu.dma_semaphore, #tpu.memory_space<semaphore_mem>>
      %dma_start3A = arith.constant 0 : i32
      %dma_start3A_34 = tpu.memref_slice %arg10[%add3A_33, %dma_start3A] : memref<10240x128xf32, #tpu.memory_space<vmem_shared>> -> memref<128x128xf32, #tpu.memory_space<vmem_shared>>
      %dma_start3A_35 = arith.constant 0 : i32
      %dma_start3A_36 = tpu.memref_slice %arg10[%add3A_33, %dma_start3A_35] : memref<10240x128xf32, #tpu.memory_space<vmem_shared>> -> memref<128x128xf32, #tpu.memory_space<vmem_shared>>
      tpu.enqueue_dma source(%dma_start3A_36 : memref<128x128xf32, #tpu.memory_space<vmem_shared>>) target(%arg9 : memref<128x128xf32, #tpu.memory_space<vmem>>) target_semaphore(%run_scoped3A : memref<!tpu.dma_semaphore, #tpu.memory_space<semaphore_mem>>)
      %dma_wait3A = arith.constant 0 : i32
      %dma_wait3A_37 = tpu.memref_slice %arg10[%add3A_33, %dma_wait3A] : memref<10240x128xf32, #tpu.memory_space<vmem_shared>> -> memref<128x128xf32, #tpu.memory_space<vmem_shared>>
      %dma_wait3A_38 = arith.constant 0 : i32
      %dma_wait3A_39 = tpu.memref_slice %arg10[%add3A_33, %dma_wait3A_38] : memref<10240x128xf32, #tpu.memory_space<vmem_shared>> -> memref<128x128xf32, #tpu.memory_space<vmem_shared>>
      tpu.wait_dma2 semaphore(%run_scoped3A : memref<!tpu.dma_semaphore, #tpu.memory_space<semaphore_mem>>) src(%dma_wait3A_39 : memref<128x128xf32, #tpu.memory_space<vmem_shared>>) dst(%arg9 : memref<128x128xf32, #tpu.memory_space<vmem>>)
      tpu.yield
    }) : () -> ()
    "tpu.region"() ({
      %run_scoped3A = tpu.sem_alloc : memref<!tpu.dma_semaphore, #tpu.memory_space<semaphore_mem>>
      %dma_start3A = arith.constant 0 : i32
      %dma_start3A_34 = tpu.memref_slice %arg6[%arg0, %add3A_33, %dma_start3A] : memref<2x10240x128xf32, #tpu.memory_space<hbm>> -> memref<1x128x128xf32, #tpu.memory_space<hbm>>
      %dma_start3A_35 = tpu.memref_squeeze %dma_start3A_34 : memref<1x128x128xf32, #tpu.memory_space<hbm>> -> memref<128x128xf32, #tpu.memory_space<hbm>>
      %dma_start3A_36 = arith.constant 0 : i32
      %dma_start3A_37 = tpu.memref_slice %arg6[%arg0, %add3A_33, %dma_start3A_36] : memref<2x10240x128xf32, #tpu.memory_space<hbm>> -> memref<1x128x128xf32, #tpu.memory_space<hbm>>
      %dma_start3A_38 = tpu.memref_squeeze %dma_start3A_37 : memref<1x128x128xf32, #tpu.memory_space<hbm>> -> memref<128x128xf32, #tpu.memory_space<hbm>>
      tpu.enqueue_dma source(%arg9 : memref<128x128xf32, #tpu.memory_space<vmem>>) target(%dma_start3A_38 : memref<128x128xf32, #tpu.memory_space<hbm>>) target_semaphore(%run_scoped3A : memref<!tpu.dma_semaphore, #tpu.memory_space<semaphore_mem>>)
      %dma_wait3A = arith.constant 0 : i32
      %dma_wait3A_39 = tpu.memref_slice %arg6[%arg0, %add3A_33, %dma_wait3A] : memref<2x10240x128xf32, #tpu.memory_space<hbm>> -> memref<1x128x128xf32, #tpu.memory_space<hbm>>
      %dma_wait3A_40 = tpu.memref_squeeze %dma_wait3A_39 : memref<1x128x128xf32, #tpu.memory_space<hbm>> -> memref<128x128xf32, #tpu.memory_space<hbm>>
      %dma_wait3A_41 = arith.constant 0 : i32
      %dma_wait3A_42 = tpu.memref_slice %arg6[%arg0, %add3A_33, %dma_wait3A_41] : memref<2x10240x128xf32, #tpu.memory_space<hbm>> -> memref<1x128x128xf32, #tpu.memory_space<hbm>>
      %dma_wait3A_43 = tpu.memref_squeeze %dma_wait3A_42 : memref<1x128x128xf32, #tpu.memory_space<hbm>> -> memref<128x128xf32, #tpu.memory_space<hbm>>
      tpu.wait_dma2 semaphore(%run_scoped3A : memref<!tpu.dma_semaphore, #tpu.memory_space<semaphore_mem>>) src(%arg9 : memref<128x128xf32, #tpu.memory_space<vmem>>) dst(%dma_wait3A_43 : memref<128x128xf32, #tpu.memory_space<hbm>>)
      tpu.yield
    }) : () -> ()
    return
  }
}

#map = affine_map<(d0, d1) -> (0, 0)>
#map1 = affine_map<(d0, d1) -> (0)>
#map2 = affine_map<(d0, d1) -> (0, 0, 0)>
module attributes {stable_mosaic.version = 14 : i64} {
  func.func @agg_kernel(%arg0: i32, %arg1: i32, %arg2: memref<10240x128xf32, #tpu.memory_space<hbm>>, %arg3: memref<323584xi32, #tpu.memory_space<hbm>>, %arg4: memref<323584xi32, #tpu.memory_space<hbm>>, %arg5: memref<128x128xf32, #tpu.memory_space<hbm>>, %arg6: memref<2x10240x128xf32, #tpu.memory_space<hbm>>, %arg7: memref<128xi32, #tpu.memory_space<vmem>>, %arg8: memref<128xi32, #tpu.memory_space<vmem>>, %arg9: memref<128x128xf32, #tpu.memory_space<vmem>>, %arg10: memref<10240x128xf32, #tpu.memory_space<vmem_shared>>, %arg11: memref<!tpu.dma_semaphore, #tpu.memory_space<semaphore_mem>>) attributes {dimension_semantics = [#tpu.dimension_semantics<core_parallel>, #tpu.dimension_semantics<subcore_parallel>], iteration_bounds = array<i64: 2, 16>, scalar_prefetch = 0 : i64, scratch_operands = 5 : i64, tpu.core_type = #tpu.core_type<sc_vector_subcore>, window_params = [{transform_indices = #map}, {transform_indices = #map1}, {transform_indices = #map1}, {transform_indices = #map}, {transform_indices = #map2}]} {
    %mul3A = arith.constant 640 : i32
    %mul3A_0 = arith.muli %arg1, %mul3A : i32
    "tpu.region"() ({
      %run_scoped3A = tpu.sem_alloc : memref<!tpu.dma_semaphore, #tpu.memory_space<semaphore_mem>>
      tpu.enqueue_dma source(%arg5 : memref<128x128xf32, #tpu.memory_space<hbm>>) target(%arg9 : memref<128x128xf32, #tpu.memory_space<vmem>>) target_semaphore(%run_scoped3A : memref<!tpu.dma_semaphore, #tpu.memory_space<semaphore_mem>>)
      tpu.wait_dma2 semaphore(%run_scoped3A : memref<!tpu.dma_semaphore, #tpu.memory_space<semaphore_mem>>) src(%arg5 : memref<128x128xf32, #tpu.memory_space<hbm>>) dst(%arg9 : memref<128x128xf32, #tpu.memory_space<vmem>>)
      tpu.yield
    }) : () -> ()
    %add3A = arith.constant 0 : i32
    %add3A_1 = arith.addi %mul3A_0, %add3A : i32
    "tpu.region"() ({
      %run_scoped3A = tpu.sem_alloc : memref<!tpu.dma_semaphore, #tpu.memory_space<semaphore_mem>>
      %dma_start3A = arith.constant 0 : i32
      %dma_start3A_34 = tpu.memref_slice %arg10[%add3A_1, %dma_start3A] : memref<10240x128xf32, #tpu.memory_space<vmem_shared>> -> memref<128x128xf32, #tpu.memory_space<vmem_shared>>
      %dma_start3A_35 = arith.constant 0 : i32
      %dma_start3A_36 = tpu.memref_slice %arg10[%add3A_1, %dma_start3A_35] : memref<10240x128xf32, #tpu.memory_space<vmem_shared>> -> memref<128x128xf32, #tpu.memory_space<vmem_shared>>
      tpu.enqueue_dma source(%arg9 : memref<128x128xf32, #tpu.memory_space<vmem>>) target(%dma_start3A_36 : memref<128x128xf32, #tpu.memory_space<vmem_shared>>) target_semaphore(%run_scoped3A : memref<!tpu.dma_semaphore, #tpu.memory_space<semaphore_mem>>)
      %dma_wait3A = arith.constant 0 : i32
      %dma_wait3A_37 = tpu.memref_slice %arg10[%add3A_1, %dma_wait3A] : memref<10240x128xf32, #tpu.memory_space<vmem_shared>> -> memref<128x128xf32, #tpu.memory_space<vmem_shared>>
      %dma_wait3A_38 = arith.constant 0 : i32
      %dma_wait3A_39 = tpu.memref_slice %arg10[%add3A_1, %dma_wait3A_38] : memref<10240x128xf32, #tpu.memory_space<vmem_shared>> -> memref<128x128xf32, #tpu.memory_space<vmem_shared>>
      tpu.wait_dma2 semaphore(%run_scoped3A : memref<!tpu.dma_semaphore, #tpu.memory_space<semaphore_mem>>) src(%arg9 : memref<128x128xf32, #tpu.memory_space<vmem>>) dst(%dma_wait3A_39 : memref<128x128xf32, #tpu.memory_space<vmem_shared>>)
      tpu.yield
    }) : () -> ()
    %add3A_2 = arith.constant 128 : i32
    %add3A_3 = arith.addi %mul3A_0, %add3A_2 : i32
    "tpu.region"() ({
      %run_scoped3A = tpu.sem_alloc : memref<!tpu.dma_semaphore, #tpu.memory_space<semaphore_mem>>
      %dma_start3A = arith.constant 0 : i32
      %dma_start3A_34 = tpu.memref_slice %arg10[%add3A_3, %dma_start3A] : memref<10240x128xf32, #tpu.memory_space<vmem_shared>> -> memref<128x128xf32, #tpu.memory_space<vmem_shared>>
      %dma_start3A_35 = arith.constant 0 : i32
      %dma_start3A_36 = tpu.memref_slice %arg10[%add3A_3, %dma_start3A_35] : memref<10240x128xf32, #tpu.memory_space<vmem_shared>> -> memref<128x128xf32, #tpu.memory_space<vmem_shared>>
      tpu.enqueue_dma source(%arg9 : memref<128x128xf32, #tpu.memory_space<vmem>>) target(%dma_start3A_36 : memref<128x128xf32, #tpu.memory_space<vmem_shared>>) target_semaphore(%run_scoped3A : memref<!tpu.dma_semaphore, #tpu.memory_space<semaphore_mem>>)
      %dma_wait3A = arith.constant 0 : i32
      %dma_wait3A_37 = tpu.memref_slice %arg10[%add3A_3, %dma_wait3A] : memref<10240x128xf32, #tpu.memory_space<vmem_shared>> -> memref<128x128xf32, #tpu.memory_space<vmem_shared>>
      %dma_wait3A_38 = arith.constant 0 : i32
      %dma_wait3A_39 = tpu.memref_slice %arg10[%add3A_3, %dma_wait3A_38] : memref<10240x128xf32, #tpu.memory_space<vmem_shared>> -> memref<128x128xf32, #tpu.memory_space<vmem_shared>>
      tpu.wait_dma2 semaphore(%run_scoped3A : memref<!tpu.dma_semaphore, #tpu.memory_space<semaphore_mem>>) src(%arg9 : memref<128x128xf32, #tpu.memory_space<vmem>>) dst(%dma_wait3A_39 : memref<128x128xf32, #tpu.memory_space<vmem_shared>>)
      tpu.yield
    }) : () -> ()
    %add3A_4 = arith.constant 256 : i32
    %add3A_5 = arith.addi %mul3A_0, %add3A_4 : i32
    "tpu.region"() ({
      %run_scoped3A = tpu.sem_alloc : memref<!tpu.dma_semaphore, #tpu.memory_space<semaphore_mem>>
      %dma_start3A = arith.constant 0 : i32
      %dma_start3A_34 = tpu.memref_slice %arg10[%add3A_5, %dma_start3A] : memref<10240x128xf32, #tpu.memory_space<vmem_shared>> -> memref<128x128xf32, #tpu.memory_space<vmem_shared>>
      %dma_start3A_35 = arith.constant 0 : i32
      %dma_start3A_36 = tpu.memref_slice %arg10[%add3A_5, %dma_start3A_35] : memref<10240x128xf32, #tpu.memory_space<vmem_shared>> -> memref<128x128xf32, #tpu.memory_space<vmem_shared>>
      tpu.enqueue_dma source(%arg9 : memref<128x128xf32, #tpu.memory_space<vmem>>) target(%dma_start3A_36 : memref<128x128xf32, #tpu.memory_space<vmem_shared>>) target_semaphore(%run_scoped3A : memref<!tpu.dma_semaphore, #tpu.memory_space<semaphore_mem>>)
      %dma_wait3A = arith.constant 0 : i32
      %dma_wait3A_37 = tpu.memref_slice %arg10[%add3A_5, %dma_wait3A] : memref<10240x128xf32, #tpu.memory_space<vmem_shared>> -> memref<128x128xf32, #tpu.memory_space<vmem_shared>>
      %dma_wait3A_38 = arith.constant 0 : i32
      %dma_wait3A_39 = tpu.memref_slice %arg10[%add3A_5, %dma_wait3A_38] : memref<10240x128xf32, #tpu.memory_space<vmem_shared>> -> memref<128x128xf32, #tpu.memory_space<vmem_shared>>
      tpu.wait_dma2 semaphore(%run_scoped3A : memref<!tpu.dma_semaphore, #tpu.memory_space<semaphore_mem>>) src(%arg9 : memref<128x128xf32, #tpu.memory_space<vmem>>) dst(%dma_wait3A_39 : memref<128x128xf32, #tpu.memory_space<vmem_shared>>)
      tpu.yield
    }) : () -> ()
    %add3A_6 = arith.constant 384 : i32
    %add3A_7 = arith.addi %mul3A_0, %add3A_6 : i32
    "tpu.region"() ({
      %run_scoped3A = tpu.sem_alloc : memref<!tpu.dma_semaphore, #tpu.memory_space<semaphore_mem>>
      %dma_start3A = arith.constant 0 : i32
      %dma_start3A_34 = tpu.memref_slice %arg10[%add3A_7, %dma_start3A] : memref<10240x128xf32, #tpu.memory_space<vmem_shared>> -> memref<128x128xf32, #tpu.memory_space<vmem_shared>>
      %dma_start3A_35 = arith.constant 0 : i32
      %dma_start3A_36 = tpu.memref_slice %arg10[%add3A_7, %dma_start3A_35] : memref<10240x128xf32, #tpu.memory_space<vmem_shared>> -> memref<128x128xf32, #tpu.memory_space<vmem_shared>>
      tpu.enqueue_dma source(%arg9 : memref<128x128xf32, #tpu.memory_space<vmem>>) target(%dma_start3A_36 : memref<128x128xf32, #tpu.memory_space<vmem_shared>>) target_semaphore(%run_scoped3A : memref<!tpu.dma_semaphore, #tpu.memory_space<semaphore_mem>>)
      %dma_wait3A = arith.constant 0 : i32
      %dma_wait3A_37 = tpu.memref_slice %arg10[%add3A_7, %dma_wait3A] : memref<10240x128xf32, #tpu.memory_space<vmem_shared>> -> memref<128x128xf32, #tpu.memory_space<vmem_shared>>
      %dma_wait3A_38 = arith.constant 0 : i32
      %dma_wait3A_39 = tpu.memref_slice %arg10[%add3A_7, %dma_wait3A_38] : memref<10240x128xf32, #tpu.memory_space<vmem_shared>> -> memref<128x128xf32, #tpu.memory_space<vmem_shared>>
      tpu.wait_dma2 semaphore(%run_scoped3A : memref<!tpu.dma_semaphore, #tpu.memory_space<semaphore_mem>>) src(%arg9 : memref<128x128xf32, #tpu.memory_space<vmem>>) dst(%dma_wait3A_39 : memref<128x128xf32, #tpu.memory_space<vmem_shared>>)
      tpu.yield
    }) : () -> ()
    %add3A_8 = arith.constant 512 : i32
    %add3A_9 = arith.addi %mul3A_0, %add3A_8 : i32
    "tpu.region"() ({
      %run_scoped3A = tpu.sem_alloc : memref<!tpu.dma_semaphore, #tpu.memory_space<semaphore_mem>>
      %dma_start3A = arith.constant 0 : i32
      %dma_start3A_34 = tpu.memref_slice %arg10[%add3A_9, %dma_start3A] : memref<10240x128xf32, #tpu.memory_space<vmem_shared>> -> memref<128x128xf32, #tpu.memory_space<vmem_shared>>
      %dma_start3A_35 = arith.constant 0 : i32
      %dma_start3A_36 = tpu.memref_slice %arg10[%add3A_9, %dma_start3A_35] : memref<10240x128xf32, #tpu.memory_space<vmem_shared>> -> memref<128x128xf32, #tpu.memory_space<vmem_shared>>
      tpu.enqueue_dma source(%arg9 : memref<128x128xf32, #tpu.memory_space<vmem>>) target(%dma_start3A_36 : memref<128x128xf32, #tpu.memory_space<vmem_shared>>) target_semaphore(%run_scoped3A : memref<!tpu.dma_semaphore, #tpu.memory_space<semaphore_mem>>)
      %dma_wait3A = arith.constant 0 : i32
      %dma_wait3A_37 = tpu.memref_slice %arg10[%add3A_9, %dma_wait3A] : memref<10240x128xf32, #tpu.memory_space<vmem_shared>> -> memref<128x128xf32, #tpu.memory_space<vmem_shared>>
      %dma_wait3A_38 = arith.constant 0 : i32
      %dma_wait3A_39 = tpu.memref_slice %arg10[%add3A_9, %dma_wait3A_38] : memref<10240x128xf32, #tpu.memory_space<vmem_shared>> -> memref<128x128xf32, #tpu.memory_space<vmem_shared>>
      tpu.wait_dma2 semaphore(%run_scoped3A : memref<!tpu.dma_semaphore, #tpu.memory_space<semaphore_mem>>) src(%arg9 : memref<128x128xf32, #tpu.memory_space<vmem>>) dst(%dma_wait3A_39 : memref<128x128xf32, #tpu.memory_space<vmem_shared>>)
      tpu.yield
    }) : () -> ()
    %barrier3A = arith.constant 0 : index
    tpu.barrier barrier_id(%barrier3A)
    %mul3A_10 = arith.constant 2 : i32
    %mul3A_11 = arith.muli %arg1, %mul3A_10 : i32
    %add3A_12 = arith.addi %mul3A_11, %arg0 : i32
    %mul3A_13 = arith.constant 79 : i32
    %mul3A_14 = arith.muli %add3A_12, %mul3A_13 : i32
    %mul3A_15 = arith.constant 128 : i32
    %mul3A_16 = arith.muli %mul3A_14, %mul3A_15 : i32
    %scan3A = arith.constant 0 : i32
    %scan3A_17 = arith.constant 0 : i32
    %scan3A_18 = arith.constant 79 : i32
    %scan3A_19 = arith.addi %scan3A_17, %scan3A_18 : i32
    %scan3A_20 = arith.constant 1 : i32
    %scan3A_21 = scf.for %scan3A_34 = %scan3A_17 to %scan3A_19 step %scan3A_20 iter_args(%scan3A_35 = %scan3A) -> (i32)  : i32 {
      %mul3A_36 = arith.constant 128 : i32
      %mul3A_37 = arith.muli %scan3A_34, %mul3A_36 : i32
      %add3A_38 = arith.addi %mul3A_16, %mul3A_37 : i32
      %multiple_of3A = tpu.assume_multiple %add3A_38, 128 : i32
      "tpu.region"() ({
        %run_scoped3A = tpu.sem_alloc : memref<!tpu.dma_semaphore, #tpu.memory_space<semaphore_mem>>
        %dma_start3A_44 = tpu.memref_slice %arg3[%multiple_of3A] : memref<323584xi32, #tpu.memory_space<hbm>> -> memref<128xi32, #tpu.memory_space<hbm>>
        %dma_start3A_45 = tpu.memref_slice %arg3[%multiple_of3A] : memref<323584xi32, #tpu.memory_space<hbm>> -> memref<128xi32, #tpu.memory_space<hbm>>
        tpu.enqueue_dma source(%dma_start3A_45 : memref<128xi32, #tpu.memory_space<hbm>>) target(%arg7 : memref<128xi32, #tpu.memory_space<vmem>>) target_semaphore(%run_scoped3A : memref<!tpu.dma_semaphore, #tpu.memory_space<semaphore_mem>>)
        %dma_wait3A_46 = tpu.memref_slice %arg3[%multiple_of3A] : memref<323584xi32, #tpu.memory_space<hbm>> -> memref<128xi32, #tpu.memory_space<hbm>>
        %dma_wait3A_47 = tpu.memref_slice %arg3[%multiple_of3A] : memref<323584xi32, #tpu.memory_space<hbm>> -> memref<128xi32, #tpu.memory_space<hbm>>
        tpu.wait_dma2 semaphore(%run_scoped3A : memref<!tpu.dma_semaphore, #tpu.memory_space<semaphore_mem>>) src(%dma_wait3A_47 : memref<128xi32, #tpu.memory_space<hbm>>) dst(%arg7 : memref<128xi32, #tpu.memory_space<vmem>>)
        tpu.yield
      }) : () -> ()
      "tpu.region"() ({
        %run_scoped3A = tpu.sem_alloc : memref<!tpu.dma_semaphore, #tpu.memory_space<semaphore_mem>>
        %dma_start3A_44 = tpu.memref_slice %arg4[%multiple_of3A] : memref<323584xi32, #tpu.memory_space<hbm>> -> memref<128xi32, #tpu.memory_space<hbm>>
        %dma_start3A_45 = tpu.memref_slice %arg4[%multiple_of3A] : memref<323584xi32, #tpu.memory_space<hbm>> -> memref<128xi32, #tpu.memory_space<hbm>>
        tpu.enqueue_dma source(%dma_start3A_45 : memref<128xi32, #tpu.memory_space<hbm>>) target(%arg8 : memref<128xi32, #tpu.memory_space<vmem>>) target_semaphore(%run_scoped3A : memref<!tpu.dma_semaphore, #tpu.memory_space<semaphore_mem>>)
        %dma_wait3A_46 = tpu.memref_slice %arg4[%multiple_of3A] : memref<323584xi32, #tpu.memory_space<hbm>> -> memref<128xi32, #tpu.memory_space<hbm>>
        %dma_wait3A_47 = tpu.memref_slice %arg4[%multiple_of3A] : memref<323584xi32, #tpu.memory_space<hbm>> -> memref<128xi32, #tpu.memory_space<hbm>>
        tpu.wait_dma2 semaphore(%run_scoped3A : memref<!tpu.dma_semaphore, #tpu.memory_space<semaphore_mem>>) src(%dma_wait3A_47 : memref<128xi32, #tpu.memory_space<hbm>>) dst(%arg8 : memref<128xi32, #tpu.memory_space<vmem>>)
        tpu.yield
      }) : () -> ()
      %dma_start3A = arith.constant 0 : i32
      %dma_start3A_39 = arith.constant 0 : i32
      %dma_start3A_40 = tpu.memref_slice %arg2[%dma_start3A, %dma_start3A_39] : memref<10240x128xf32, #tpu.memory_space<hbm>> -> memref<10240x128xf32, #tpu.memory_space<hbm>>
      tpu.enqueue_indirect_dma source(%dma_start3A_40 : memref<10240x128xf32, #tpu.memory_space<hbm>>) target(%arg9 : memref<128x128xf32, #tpu.memory_space<vmem>>) offsets(%arg7 : memref<128xi32, #tpu.memory_space<vmem>>) semaphore(%arg11 : memref<!tpu.dma_semaphore, #tpu.memory_space<semaphore_mem>>)
      %dma_wait3A = arith.constant 0 : i32
      %dma_wait3A_41 = arith.constant 0 : i32
      %dma_wait3A_42 = tpu.memref_slice %arg2[%dma_wait3A, %dma_wait3A_41] : memref<10240x128xf32, #tpu.memory_space<hbm>> -> memref<10240x128xf32, #tpu.memory_space<hbm>>
      tpu.wait_indirect_dma semaphore(%arg11 : memref<!tpu.dma_semaphore, #tpu.memory_space<semaphore_mem>>) src(%dma_wait3A_42 : memref<10240x128xf32, #tpu.memory_space<hbm>>) dst(%arg9 : memref<128x128xf32, #tpu.memory_space<vmem>>)
      "tpu.region"() ({
        %run_scoped3A = tpu.sem_alloc : memref<!tpu.dma_semaphore, #tpu.memory_space<semaphore_mem>>
        %dma_start3A_44 = arith.constant 0 : i32
        %dma_start3A_45 = arith.constant 0 : i32
        %dma_start3A_46 = tpu.memref_slice %arg10[%dma_start3A_44, %dma_start3A_45] : memref<10240x128xf32, #tpu.memory_space<vmem_shared>> -> memref<10240x128xf32, #tpu.memory_space<vmem_shared>>
        tpu.enqueue_indirect_dma source(%arg9 : memref<128x128xf32, #tpu.memory_space<vmem>>) target(%dma_start3A_46 : memref<10240x128xf32, #tpu.memory_space<vmem_shared>>) offsets(%arg8 : memref<128xi32, #tpu.memory_space<vmem>>) semaphore(%run_scoped3A : memref<!tpu.dma_semaphore, #tpu.memory_space<semaphore_mem>>) {add = true}
        %dma_wait3A_47 = arith.constant 0 : i32
        %dma_wait3A_48 = arith.constant 0 : i32
        %dma_wait3A_49 = tpu.memref_slice %arg10[%dma_wait3A_47, %dma_wait3A_48] : memref<10240x128xf32, #tpu.memory_space<vmem_shared>> -> memref<10240x128xf32, #tpu.memory_space<vmem_shared>>
        tpu.wait_indirect_dma semaphore(%run_scoped3A : memref<!tpu.dma_semaphore, #tpu.memory_space<semaphore_mem>>) src(%arg9 : memref<128x128xf32, #tpu.memory_space<vmem>>) dst(%dma_wait3A_49 : memref<10240x128xf32, #tpu.memory_space<vmem_shared>>)
        tpu.yield
      }) : () -> ()
      %scan3A_43 = arith.constant 0 : i32
      scf.yield %scan3A_43 : i32
    }
    %scan3A_22 = arith.constant 79 : i32
    %barrier3A_23 = arith.constant 0 : index
    tpu.barrier barrier_id(%barrier3A_23)
    %add3A_24 = arith.constant 0 : i32
    %add3A_25 = arith.addi %mul3A_0, %add3A_24 : i32
    "tpu.region"() ({
      %run_scoped3A = tpu.sem_alloc : memref<!tpu.dma_semaphore, #tpu.memory_space<semaphore_mem>>
      %dma_start3A = arith.constant 0 : i32
      %dma_start3A_34 = tpu.memref_slice %arg10[%add3A_25, %dma_start3A] : memref<10240x128xf32, #tpu.memory_space<vmem_shared>> -> memref<128x128xf32, #tpu.memory_space<vmem_shared>>
      %dma_start3A_35 = arith.constant 0 : i32
      %dma_start3A_36 = tpu.memref_slice %arg10[%add3A_25, %dma_start3A_35] : memref<10240x128xf32, #tpu.memory_space<vmem_shared>> -> memref<128x128xf32, #tpu.memory_space<vmem_shared>>
      tpu.enqueue_dma source(%dma_start3A_36 : memref<128x128xf32, #tpu.memory_space<vmem_shared>>) target(%arg9 : memref<128x128xf32, #tpu.memory_space<vmem>>) target_semaphore(%run_scoped3A : memref<!tpu.dma_semaphore, #tpu.memory_space<semaphore_mem>>)
      %dma_wait3A = arith.constant 0 : i32
      %dma_wait3A_37 = tpu.memref_slice %arg10[%add3A_25, %dma_wait3A] : memref<10240x128xf32, #tpu.memory_space<vmem_shared>> -> memref<128x128xf32, #tpu.memory_space<vmem_shared>>
      %dma_wait3A_38 = arith.constant 0 : i32
      %dma_wait3A_39 = tpu.memref_slice %arg10[%add3A_25, %dma_wait3A_38] : memref<10240x128xf32, #tpu.memory_space<vmem_shared>> -> memref<128x128xf32, #tpu.memory_space<vmem_shared>>
      tpu.wait_dma2 semaphore(%run_scoped3A : memref<!tpu.dma_semaphore, #tpu.memory_space<semaphore_mem>>) src(%dma_wait3A_39 : memref<128x128xf32, #tpu.memory_space<vmem_shared>>) dst(%arg9 : memref<128x128xf32, #tpu.memory_space<vmem>>)
      tpu.yield
    }) : () -> ()
    "tpu.region"() ({
      %run_scoped3A = tpu.sem_alloc : memref<!tpu.dma_semaphore, #tpu.memory_space<semaphore_mem>>
      %dma_start3A = arith.constant 0 : i32
      %dma_start3A_34 = tpu.memref_slice %arg6[%arg0, %add3A_25, %dma_start3A] : memref<2x10240x128xf32, #tpu.memory_space<hbm>> -> memref<1x128x128xf32, #tpu.memory_space<hbm>>
      %dma_start3A_35 = tpu.memref_squeeze %dma_start3A_34 : memref<1x128x128xf32, #tpu.memory_space<hbm>> -> memref<128x128xf32, #tpu.memory_space<hbm>>
      %dma_start3A_36 = arith.constant 0 : i32
      %dma_start3A_37 = tpu.memref_slice %arg6[%arg0, %add3A_25, %dma_start3A_36] : memref<2x10240x128xf32, #tpu.memory_space<hbm>> -> memref<1x128x128xf32, #tpu.memory_space<hbm>>
      %dma_start3A_38 = tpu.memref_squeeze %dma_start3A_37 : memref<1x128x128xf32, #tpu.memory_space<hbm>> -> memref<128x128xf32, #tpu.memory_space<hbm>>
      tpu.enqueue_dma source(%arg9 : memref<128x128xf32, #tpu.memory_space<vmem>>) target(%dma_start3A_38 : memref<128x128xf32, #tpu.memory_space<hbm>>) target_semaphore(%run_scoped3A : memref<!tpu.dma_semaphore, #tpu.memory_space<semaphore_mem>>)
      %dma_wait3A = arith.constant 0 : i32
      %dma_wait3A_39 = tpu.memref_slice %arg6[%arg0, %add3A_25, %dma_wait3A] : memref<2x10240x128xf32, #tpu.memory_space<hbm>> -> memref<1x128x128xf32, #tpu.memory_space<hbm>>
      %dma_wait3A_40 = tpu.memref_squeeze %dma_wait3A_39 : memref<1x128x128xf32, #tpu.memory_space<hbm>> -> memref<128x128xf32, #tpu.memory_space<hbm>>
      %dma_wait3A_41 = arith.constant 0 : i32
      %dma_wait3A_42 = tpu.memref_slice %arg6[%arg0, %add3A_25, %dma_wait3A_41] : memref<2x10240x128xf32, #tpu.memory_space<hbm>> -> memref<1x128x128xf32, #tpu.memory_space<hbm>>
      %dma_wait3A_43 = tpu.memref_squeeze %dma_wait3A_42 : memref<1x128x128xf32, #tpu.memory_space<hbm>> -> memref<128x128xf32, #tpu.memory_space<hbm>>
      tpu.wait_dma2 semaphore(%run_scoped3A : memref<!tpu.dma_semaphore, #tpu.memory_space<semaphore_mem>>) src(%arg9 : memref<128x128xf32, #tpu.memory_space<vmem>>) dst(%dma_wait3A_43 : memref<128x128xf32, #tpu.memory_space<hbm>>)
      tpu.yield
    }) : () -> ()
    %add3A_26 = arith.constant 128 : i32
    %add3A_27 = arith.addi %mul3A_0, %add3A_26 : i32
    "tpu.region"() ({
      %run_scoped3A = tpu.sem_alloc : memref<!tpu.dma_semaphore, #tpu.memory_space<semaphore_mem>>
      %dma_start3A = arith.constant 0 : i32
      %dma_start3A_34 = tpu.memref_slice %arg10[%add3A_27, %dma_start3A] : memref<10240x128xf32, #tpu.memory_space<vmem_shared>> -> memref<128x128xf32, #tpu.memory_space<vmem_shared>>
      %dma_start3A_35 = arith.constant 0 : i32
      %dma_start3A_36 = tpu.memref_slice %arg10[%add3A_27, %dma_start3A_35] : memref<10240x128xf32, #tpu.memory_space<vmem_shared>> -> memref<128x128xf32, #tpu.memory_space<vmem_shared>>
      tpu.enqueue_dma source(%dma_start3A_36 : memref<128x128xf32, #tpu.memory_space<vmem_shared>>) target(%arg9 : memref<128x128xf32, #tpu.memory_space<vmem>>) target_semaphore(%run_scoped3A : memref<!tpu.dma_semaphore, #tpu.memory_space<semaphore_mem>>)
      %dma_wait3A = arith.constant 0 : i32
      %dma_wait3A_37 = tpu.memref_slice %arg10[%add3A_27, %dma_wait3A] : memref<10240x128xf32, #tpu.memory_space<vmem_shared>> -> memref<128x128xf32, #tpu.memory_space<vmem_shared>>
      %dma_wait3A_38 = arith.constant 0 : i32
      %dma_wait3A_39 = tpu.memref_slice %arg10[%add3A_27, %dma_wait3A_38] : memref<10240x128xf32, #tpu.memory_space<vmem_shared>> -> memref<128x128xf32, #tpu.memory_space<vmem_shared>>
      tpu.wait_dma2 semaphore(%run_scoped3A : memref<!tpu.dma_semaphore, #tpu.memory_space<semaphore_mem>>) src(%dma_wait3A_39 : memref<128x128xf32, #tpu.memory_space<vmem_shared>>) dst(%arg9 : memref<128x128xf32, #tpu.memory_space<vmem>>)
      tpu.yield
    }) : () -> ()
    "tpu.region"() ({
      %run_scoped3A = tpu.sem_alloc : memref<!tpu.dma_semaphore, #tpu.memory_space<semaphore_mem>>
      %dma_start3A = arith.constant 0 : i32
      %dma_start3A_34 = tpu.memref_slice %arg6[%arg0, %add3A_27, %dma_start3A] : memref<2x10240x128xf32, #tpu.memory_space<hbm>> -> memref<1x128x128xf32, #tpu.memory_space<hbm>>
      %dma_start3A_35 = tpu.memref_squeeze %dma_start3A_34 : memref<1x128x128xf32, #tpu.memory_space<hbm>> -> memref<128x128xf32, #tpu.memory_space<hbm>>
      %dma_start3A_36 = arith.constant 0 : i32
      %dma_start3A_37 = tpu.memref_slice %arg6[%arg0, %add3A_27, %dma_start3A_36] : memref<2x10240x128xf32, #tpu.memory_space<hbm>> -> memref<1x128x128xf32, #tpu.memory_space<hbm>>
      %dma_start3A_38 = tpu.memref_squeeze %dma_start3A_37 : memref<1x128x128xf32, #tpu.memory_space<hbm>> -> memref<128x128xf32, #tpu.memory_space<hbm>>
      tpu.enqueue_dma source(%arg9 : memref<128x128xf32, #tpu.memory_space<vmem>>) target(%dma_start3A_38 : memref<128x128xf32, #tpu.memory_space<hbm>>) target_semaphore(%run_scoped3A : memref<!tpu.dma_semaphore, #tpu.memory_space<semaphore_mem>>)
      %dma_wait3A = arith.constant 0 : i32
      %dma_wait3A_39 = tpu.memref_slice %arg6[%arg0, %add3A_27, %dma_wait3A] : memref<2x10240x128xf32, #tpu.memory_space<hbm>> -> memref<1x128x128xf32, #tpu.memory_space<hbm>>
      %dma_wait3A_40 = tpu.memref_squeeze %dma_wait3A_39 : memref<1x128x128xf32, #tpu.memory_space<hbm>> -> memref<128x128xf32, #tpu.memory_space<hbm>>
      %dma_wait3A_41 = arith.constant 0 : i32
      %dma_wait3A_42 = tpu.memref_slice %arg6[%arg0, %add3A_27, %dma_wait3A_41] : memref<2x10240x128xf32, #tpu.memory_space<hbm>> -> memref<1x128x128xf32, #tpu.memory_space<hbm>>
      %dma_wait3A_43 = tpu.memref_squeeze %dma_wait3A_42 : memref<1x128x128xf32, #tpu.memory_space<hbm>> -> memref<128x128xf32, #tpu.memory_space<hbm>>
      tpu.wait_dma2 semaphore(%run_scoped3A : memref<!tpu.dma_semaphore, #tpu.memory_space<semaphore_mem>>) src(%arg9 : memref<128x128xf32, #tpu.memory_space<vmem>>) dst(%dma_wait3A_43 : memref<128x128xf32, #tpu.memory_space<hbm>>)
      tpu.yield
    }) : () -> ()
    %add3A_28 = arith.constant 256 : i32
    %add3A_29 = arith.addi %mul3A_0, %add3A_28 : i32
    "tpu.region"() ({
      %run_scoped3A = tpu.sem_alloc : memref<!tpu.dma_semaphore, #tpu.memory_space<semaphore_mem>>
      %dma_start3A = arith.constant 0 : i32
      %dma_start3A_34 = tpu.memref_slice %arg10[%add3A_29, %dma_start3A] : memref<10240x128xf32, #tpu.memory_space<vmem_shared>> -> memref<128x128xf32, #tpu.memory_space<vmem_shared>>
      %dma_start3A_35 = arith.constant 0 : i32
      %dma_start3A_36 = tpu.memref_slice %arg10[%add3A_29, %dma_start3A_35] : memref<10240x128xf32, #tpu.memory_space<vmem_shared>> -> memref<128x128xf32, #tpu.memory_space<vmem_shared>>
      tpu.enqueue_dma source(%dma_start3A_36 : memref<128x128xf32, #tpu.memory_space<vmem_shared>>) target(%arg9 : memref<128x128xf32, #tpu.memory_space<vmem>>) target_semaphore(%run_scoped3A : memref<!tpu.dma_semaphore, #tpu.memory_space<semaphore_mem>>)
      %dma_wait3A = arith.constant 0 : i32
      %dma_wait3A_37 = tpu.memref_slice %arg10[%add3A_29, %dma_wait3A] : memref<10240x128xf32, #tpu.memory_space<vmem_shared>> -> memref<128x128xf32, #tpu.memory_space<vmem_shared>>
      %dma_wait3A_38 = arith.constant 0 : i32
      %dma_wait3A_39 = tpu.memref_slice %arg10[%add3A_29, %dma_wait3A_38] : memref<10240x128xf32, #tpu.memory_space<vmem_shared>> -> memref<128x128xf32, #tpu.memory_space<vmem_shared>>
      tpu.wait_dma2 semaphore(%run_scoped3A : memref<!tpu.dma_semaphore, #tpu.memory_space<semaphore_mem>>) src(%dma_wait3A_39 : memref<128x128xf32, #tpu.memory_space<vmem_shared>>) dst(%arg9 : memref<128x128xf32, #tpu.memory_space<vmem>>)
      tpu.yield
    }) : () -> ()
    "tpu.region"() ({
      %run_scoped3A = tpu.sem_alloc : memref<!tpu.dma_semaphore, #tpu.memory_space<semaphore_mem>>
      %dma_start3A = arith.constant 0 : i32
      %dma_start3A_34 = tpu.memref_slice %arg6[%arg0, %add3A_29, %dma_start3A] : memref<2x10240x128xf32, #tpu.memory_space<hbm>> -> memref<1x128x128xf32, #tpu.memory_space<hbm>>
      %dma_start3A_35 = tpu.memref_squeeze %dma_start3A_34 : memref<1x128x128xf32, #tpu.memory_space<hbm>> -> memref<128x128xf32, #tpu.memory_space<hbm>>
      %dma_start3A_36 = arith.constant 0 : i32
      %dma_start3A_37 = tpu.memref_slice %arg6[%arg0, %add3A_29, %dma_start3A_36] : memref<2x10240x128xf32, #tpu.memory_space<hbm>> -> memref<1x128x128xf32, #tpu.memory_space<hbm>>
      %dma_start3A_38 = tpu.memref_squeeze %dma_start3A_37 : memref<1x128x128xf32, #tpu.memory_space<hbm>> -> memref<128x128xf32, #tpu.memory_space<hbm>>
      tpu.enqueue_dma source(%arg9 : memref<128x128xf32, #tpu.memory_space<vmem>>) target(%dma_start3A_38 : memref<128x128xf32, #tpu.memory_space<hbm>>) target_semaphore(%run_scoped3A : memref<!tpu.dma_semaphore, #tpu.memory_space<semaphore_mem>>)
      %dma_wait3A = arith.constant 0 : i32
      %dma_wait3A_39 = tpu.memref_slice %arg6[%arg0, %add3A_29, %dma_wait3A] : memref<2x10240x128xf32, #tpu.memory_space<hbm>> -> memref<1x128x128xf32, #tpu.memory_space<hbm>>
      %dma_wait3A_40 = tpu.memref_squeeze %dma_wait3A_39 : memref<1x128x128xf32, #tpu.memory_space<hbm>> -> memref<128x128xf32, #tpu.memory_space<hbm>>
      %dma_wait3A_41 = arith.constant 0 : i32
      %dma_wait3A_42 = tpu.memref_slice %arg6[%arg0, %add3A_29, %dma_wait3A_41] : memref<2x10240x128xf32, #tpu.memory_space<hbm>> -> memref<1x128x128xf32, #tpu.memory_space<hbm>>
      %dma_wait3A_43 = tpu.memref_squeeze %dma_wait3A_42 : memref<1x128x128xf32, #tpu.memory_space<hbm>> -> memref<128x128xf32, #tpu.memory_space<hbm>>
      tpu.wait_dma2 semaphore(%run_scoped3A : memref<!tpu.dma_semaphore, #tpu.memory_space<semaphore_mem>>) src(%arg9 : memref<128x128xf32, #tpu.memory_space<vmem>>) dst(%dma_wait3A_43 : memref<128x128xf32, #tpu.memory_space<hbm>>)
      tpu.yield
    }) : () -> ()
    %add3A_30 = arith.constant 384 : i32
    %add3A_31 = arith.addi %mul3A_0, %add3A_30 : i32
    "tpu.region"() ({
      %run_scoped3A = tpu.sem_alloc : memref<!tpu.dma_semaphore, #tpu.memory_space<semaphore_mem>>
      %dma_start3A = arith.constant 0 : i32
      %dma_start3A_34 = tpu.memref_slice %arg10[%add3A_31, %dma_start3A] : memref<10240x128xf32, #tpu.memory_space<vmem_shared>> -> memref<128x128xf32, #tpu.memory_space<vmem_shared>>
      %dma_start3A_35 = arith.constant 0 : i32
      %dma_start3A_36 = tpu.memref_slice %arg10[%add3A_31, %dma_start3A_35] : memref<10240x128xf32, #tpu.memory_space<vmem_shared>> -> memref<128x128xf32, #tpu.memory_space<vmem_shared>>
      tpu.enqueue_dma source(%dma_start3A_36 : memref<128x128xf32, #tpu.memory_space<vmem_shared>>) target(%arg9 : memref<128x128xf32, #tpu.memory_space<vmem>>) target_semaphore(%run_scoped3A : memref<!tpu.dma_semaphore, #tpu.memory_space<semaphore_mem>>)
      %dma_wait3A = arith.constant 0 : i32
      %dma_wait3A_37 = tpu.memref_slice %arg10[%add3A_31, %dma_wait3A] : memref<10240x128xf32, #tpu.memory_space<vmem_shared>> -> memref<128x128xf32, #tpu.memory_space<vmem_shared>>
      %dma_wait3A_38 = arith.constant 0 : i32
      %dma_wait3A_39 = tpu.memref_slice %arg10[%add3A_31, %dma_wait3A_38] : memref<10240x128xf32, #tpu.memory_space<vmem_shared>> -> memref<128x128xf32, #tpu.memory_space<vmem_shared>>
      tpu.wait_dma2 semaphore(%run_scoped3A : memref<!tpu.dma_semaphore, #tpu.memory_space<semaphore_mem>>) src(%dma_wait3A_39 : memref<128x128xf32, #tpu.memory_space<vmem_shared>>) dst(%arg9 : memref<128x128xf32, #tpu.memory_space<vmem>>)
      tpu.yield
    }) : () -> ()
    "tpu.region"() ({
      %run_scoped3A = tpu.sem_alloc : memref<!tpu.dma_semaphore, #tpu.memory_space<semaphore_mem>>
      %dma_start3A = arith.constant 0 : i32
      %dma_start3A_34 = tpu.memref_slice %arg6[%arg0, %add3A_31, %dma_start3A] : memref<2x10240x128xf32, #tpu.memory_space<hbm>> -> memref<1x128x128xf32, #tpu.memory_space<hbm>>
      %dma_start3A_35 = tpu.memref_squeeze %dma_start3A_34 : memref<1x128x128xf32, #tpu.memory_space<hbm>> -> memref<128x128xf32, #tpu.memory_space<hbm>>
      %dma_start3A_36 = arith.constant 0 : i32
      %dma_start3A_37 = tpu.memref_slice %arg6[%arg0, %add3A_31, %dma_start3A_36] : memref<2x10240x128xf32, #tpu.memory_space<hbm>> -> memref<1x128x128xf32, #tpu.memory_space<hbm>>
      %dma_start3A_38 = tpu.memref_squeeze %dma_start3A_37 : memref<1x128x128xf32, #tpu.memory_space<hbm>> -> memref<128x128xf32, #tpu.memory_space<hbm>>
      tpu.enqueue_dma source(%arg9 : memref<128x128xf32, #tpu.memory_space<vmem>>) target(%dma_start3A_38 : memref<128x128xf32, #tpu.memory_space<hbm>>) target_semaphore(%run_scoped3A : memref<!tpu.dma_semaphore, #tpu.memory_space<semaphore_mem>>)
      %dma_wait3A = arith.constant 0 : i32
      %dma_wait3A_39 = tpu.memref_slice %arg6[%arg0, %add3A_31, %dma_wait3A] : memref<2x10240x128xf32, #tpu.memory_space<hbm>> -> memref<1x128x128xf32, #tpu.memory_space<hbm>>
      %dma_wait3A_40 = tpu.memref_squeeze %dma_wait3A_39 : memref<1x128x128xf32, #tpu.memory_space<hbm>> -> memref<128x128xf32, #tpu.memory_space<hbm>>
      %dma_wait3A_41 = arith.constant 0 : i32
      %dma_wait3A_42 = tpu.memref_slice %arg6[%arg0, %add3A_31, %dma_wait3A_41] : memref<2x10240x128xf32, #tpu.memory_space<hbm>> -> memref<1x128x128xf32, #tpu.memory_space<hbm>>
      %dma_wait3A_43 = tpu.memref_squeeze %dma_wait3A_42 : memref<1x128x128xf32, #tpu.memory_space<hbm>> -> memref<128x128xf32, #tpu.memory_space<hbm>>
      tpu.wait_dma2 semaphore(%run_scoped3A : memref<!tpu.dma_semaphore, #tpu.memory_space<semaphore_mem>>) src(%arg9 : memref<128x128xf32, #tpu.memory_space<vmem>>) dst(%dma_wait3A_43 : memref<128x128xf32, #tpu.memory_space<hbm>>)
      tpu.yield
    }) : () -> ()
    %add3A_32 = arith.constant 512 : i32
    %add3A_33 = arith.addi %mul3A_0, %add3A_32 : i32
    "tpu.region"() ({
      %run_scoped3A = tpu.sem_alloc : memref<!tpu.dma_semaphore, #tpu.memory_space<semaphore_mem>>
      %dma_start3A = arith.constant 0 : i32
      %dma_start3A_34 = tpu.memref_slice %arg10[%add3A_33, %dma_start3A] : memref<10240x128xf32, #tpu.memory_space<vmem_shared>> -> memref<128x128xf32, #tpu.memory_space<vmem_shared>>
      %dma_start3A_35 = arith.constant 0 : i32
      %dma_start3A_36 = tpu.memref_slice %arg10[%add3A_33, %dma_start3A_35] : memref<10240x128xf32, #tpu.memory_space<vmem_shared>> -> memref<128x128xf32, #tpu.memory_space<vmem_shared>>
      tpu.enqueue_dma source(%dma_start3A_36 : memref<128x128xf32, #tpu.memory_space<vmem_shared>>) target(%arg9 : memref<128x128xf32, #tpu.memory_space<vmem>>) target_semaphore(%run_scoped3A : memref<!tpu.dma_semaphore, #tpu.memory_space<semaphore_mem>>)
      %dma_wait3A = arith.constant 0 : i32
      %dma_wait3A_37 = tpu.memref_slice %arg10[%add3A_33, %dma_wait3A] : memref<10240x128xf32, #tpu.memory_space<vmem_shared>> -> memref<128x128xf32, #tpu.memory_space<vmem_shared>>
      %dma_wait3A_38 = arith.constant 0 : i32
      %dma_wait3A_39 = tpu.memref_slice %arg10[%add3A_33, %dma_wait3A_38] : memref<10240x128xf32, #tpu.memory_space<vmem_shared>> -> memref<128x128xf32, #tpu.memory_space<vmem_shared>>
      tpu.wait_dma2 semaphore(%run_scoped3A : memref<!tpu.dma_semaphore, #tpu.memory_space<semaphore_mem>>) src(%dma_wait3A_39 : memref<128x128xf32, #tpu.memory_space<vmem_shared>>) dst(%arg9 : memref<128x128xf32, #tpu.memory_space<vmem>>)
      tpu.yield
    }) : () -> ()
    "tpu.region"() ({
      %run_scoped3A = tpu.sem_alloc : memref<!tpu.dma_semaphore, #tpu.memory_space<semaphore_mem>>
      %dma_start3A = arith.constant 0 : i32
      %dma_start3A_34 = tpu.memref_slice %arg6[%arg0, %add3A_33, %dma_start3A] : memref<2x10240x128xf32, #tpu.memory_space<hbm>> -> memref<1x128x128xf32, #tpu.memory_space<hbm>>
      %dma_start3A_35 = tpu.memref_squeeze %dma_start3A_34 : memref<1x128x128xf32, #tpu.memory_space<hbm>> -> memref<128x128xf32, #tpu.memory_space<hbm>>
      %dma_start3A_36 = arith.constant 0 : i32
      %dma_start3A_37 = tpu.memref_slice %arg6[%arg0, %add3A_33, %dma_start3A_36] : memref<2x10240x128xf32, #tpu.memory_space<hbm>> -> memref<1x128x128xf32, #tpu.memory_space<hbm>>
      %dma_start3A_38 = tpu.memref_squeeze %dma_start3A_37 : memref<1x128x128xf32, #tpu.memory_space<hbm>> -> memref<128x128xf32, #tpu.memory_space<hbm>>
      tpu.enqueue_dma source(%arg9 : memref<128x128xf32, #tpu.memory_space<vmem>>) target(%dma_start3A_38 : memref<128x128xf32, #tpu.memory_space<hbm>>) target_semaphore(%run_scoped3A : memref<!tpu.dma_semaphore, #tpu.memory_space<semaphore_mem>>)
      %dma_wait3A = arith.constant 0 : i32
      %dma_wait3A_39 = tpu.memref_slice %arg6[%arg0, %add3A_33, %dma_wait3A] : memref<2x10240x128xf32, #tpu.memory_space<hbm>> -> memref<1x128x128xf32, #tpu.memory_space<hbm>>
      %dma_wait3A_40 = tpu.memref_squeeze %dma_wait3A_39 : memref<1x128x128xf32, #tpu.memory_space<hbm>> -> memref<128x128xf32, #tpu.memory_space<hbm>>
      %dma_wait3A_41 = arith.constant 0 : i32
      %dma_wait3A_42 = tpu.memref_slice %arg6[%arg0, %add3A_33, %dma_wait3A_41] : memref<2x10240x128xf32, #tpu.memory_space<hbm>> -> memref<1x128x128xf32, #tpu.memory_space<hbm>>
      %dma_wait3A_43 = tpu.memref_squeeze %dma_wait3A_42 : memref<1x128x128xf32, #tpu.memory_space<hbm>> -> memref<128x128xf32, #tpu.memory_space<hbm>>
      tpu.wait_dma2 semaphore(%run_scoped3A : memref<!tpu.dma_semaphore, #tpu.memory_space<semaphore_mem>>) src(%arg9 : memref<128x128xf32, #tpu.memory_space<vmem>>) dst(%dma_wait3A_43 : memref<128x128xf32, #tpu.memory_space<hbm>>)
      tpu.yield
    }) : () -> ()
    return
  }
}

module attributes {stable_mosaic.version = 14 : i64} {
  func.func @_prep_body(%arg0: i32, %arg1: memref<256x128xf32, #tpu.memory_space<vmem>>, %arg2: memref<256x128xf32, #tpu.memory_space<vmem>>, %arg3: memref<2x256x128xf32, #tpu.memory_space<vmem>>, %arg4: memref<256x128xf32, #tpu.memory_space<vmem>>) attributes {dimension_semantics = [#tpu.dimension_semantics<arbitrary>], iteration_bounds = array<i64: 40>, scalar_prefetch = 0 : i64, scratch_operands = 0 : i64, tpu.core_type = #tpu.core_type<tc>, window_params = [{transform_indices = @transform_0, window_bounds = array<i64: 256, 128>}, {transform_indices = @transform_1, window_bounds = array<i64: 256, 128>}, {transform_indices = @transform_2, window_bounds = array<i64: 2, 256, 128>}, {transform_indices = @transform_3, window_bounds = array<i64: 256, 128>}]} {
    %get3A = arith.constant 0 : index
    %get3A_0 = arith.constant 0 : index
    %get3A_1 = vector.load %arg1[%get3A, %get3A_0] : memref<256x128xf32, #tpu.memory_space<vmem>>, vector<256x128xf32>
    %get3A_2 = arith.constant 0 : index
    %get3A_3 = arith.constant 0 : index
    %get3A_4 = vector.load %arg2[%get3A_2, %get3A_3] : memref<256x128xf32, #tpu.memory_space<vmem>>, vector<256x128xf32>
    %mul3A = arith.mulf %get3A_1, %get3A_4 : vector<256x128xf32>
    %get3A_5 = arith.constant 0 : index
    %get3A_6 = arith.constant 0 : index
    %get3A_7 = arith.constant 0 : index
    %get3A_8 = vector.load %arg3[%get3A_5, %get3A_6, %get3A_7] : memref<2x256x128xf32, #tpu.memory_space<vmem>>, vector<1x256x1xf32>
    %get3A_9 = vector.shape_cast %get3A_8 : vector<1x256x1xf32> to vector<256x1xf32>
    %max3A = arith.constant 1.000000e+00 : f32
    %max3A_10 = vector.broadcast %max3A : f32 to vector<256x1xf32>
    %max3A_11 = arith.maximumf %get3A_9, %max3A_10 : vector<256x1xf32>
    %rsqrt3A = math.rsqrt %max3A_11 : vector<256x1xf32>
    %mul3A_12 = vector.broadcast %rsqrt3A : vector<256x1xf32> to vector<256x128xf32>
    %mul3A_13 = arith.mulf %mul3A, %mul3A_12 : vector<256x128xf32>
    %swap3A = arith.constant 0 : index
    %swap3A_14 = arith.constant 0 : index
    %swap3A_15 = vector.load %arg4[%swap3A, %swap3A_14] : memref<256x128xf32, #tpu.memory_space<vmem>>, vector<256x128xf32>
    tpu.vector_store %arg4[%swap3A, %swap3A_14], %mul3A_13 {strides = array<i32>} : memref<256x128xf32, #tpu.memory_space<vmem>>, vector<256x128xf32>,
    return
  }
  func.func @transform_0(%arg0: i32) -> (i32, i32) {
    %c0_i32 = arith.constant 0 : i32
    %c0_i32_0 = arith.constant 0 : i32
    return %arg0, %c0_i32 : i32, i32
  }
  func.func @transform_1(%arg0: i32) -> (i32, i32) {
    %c0_i32 = arith.constant 0 : i32
    %c0_i32_0 = arith.constant 0 : i32
    return %arg0, %c0_i32 : i32, i32
  }
  func.func @transform_2(%arg0: i32) -> (i32, i32, i32) {
    %c0_i32 = arith.constant 0 : i32
    %c0_i32_0 = arith.constant 0 : i32
    %c0_i32_1 = arith.constant 0 : i32
    return %c0_i32, %arg0, %c0_i32_0 : i32, i32, i32
  }
  func.func @transform_3(%arg0: i32) -> (i32, i32) {
    %c0_i32 = arith.constant 0 : i32
    %c0_i32_0 = arith.constant 0 : i32
    return %arg0, %c0_i32 : i32, i32
  }
}

module attributes {stable_mosaic.version = 14 : i64} {
  func.func @_layer1_body(%arg0: i32, %arg1: memref<2x256x128xf32, #tpu.memory_space<vmem>>, %arg2: memref<2x256x128xf32, #tpu.memory_space<vmem>>, %arg3: memref<128x128xf32, #tpu.memory_space<vmem>>, %arg4: memref<128xf32, #tpu.memory_space<vmem>>, %arg5: memref<256x128xf32, #tpu.memory_space<vmem>>) attributes {dimension_semantics = [#tpu.dimension_semantics<arbitrary>], iteration_bounds = array<i64: 40>, scalar_prefetch = 0 : i64, scratch_operands = 0 : i64, tpu.core_type = #tpu.core_type<tc>, window_params = [{transform_indices = @transform_0, window_bounds = array<i64: 2, 256, 128>}, {transform_indices = @transform_1, window_bounds = array<i64: 2, 256, 128>}, {pipeline_mode = #tpu.pipeline_mode<synchronous>, transform_indices = @transform_2, window_bounds = array<i64: 128, 128>}, {pipeline_mode = #tpu.pipeline_mode<synchronous>, transform_indices = @transform_3, window_bounds = array<i64: 128>}, {transform_indices = @transform_4, window_bounds = array<i64: 256, 128>}]} {
    %get3A = arith.constant 0 : index
    %get3A_0 = arith.constant 0 : index
    %get3A_1 = arith.constant 0 : index
    %get3A_2 = vector.load %arg1[%get3A, %get3A_0, %get3A_1] : memref<2x256x128xf32, #tpu.memory_space<vmem>>, vector<1x256x128xf32>
    %get3A_3 = vector.shape_cast %get3A_2 : vector<1x256x128xf32> to vector<256x128xf32>
    %get3A_4 = arith.constant 1 : index
    %get3A_5 = arith.constant 0 : index
    %get3A_6 = arith.constant 0 : index
    %get3A_7 = vector.load %arg1[%get3A_4, %get3A_5, %get3A_6] : memref<2x256x128xf32, #tpu.memory_space<vmem>>, vector<1x256x128xf32>
    %get3A_8 = vector.shape_cast %get3A_7 : vector<1x256x128xf32> to vector<256x128xf32>
    %add3A = arith.addf %get3A_3, %get3A_8 : vector<256x128xf32>
    %get3A_9 = arith.constant 1 : index
    %get3A_10 = arith.constant 0 : index
    %get3A_11 = arith.constant 0 : index
    %get3A_12 = vector.load %arg2[%get3A_9, %get3A_10, %get3A_11] : memref<2x256x128xf32, #tpu.memory_space<vmem>>, vector<1x256x1xf32>
    %get3A_13 = vector.shape_cast %get3A_12 : vector<1x256x1xf32> to vector<256x1xf32>
    %max3A = arith.constant 1.000000e+00 : f32
    %max3A_14 = vector.broadcast %max3A : f32 to vector<256x1xf32>
    %max3A_15 = arith.maximumf %get3A_13, %max3A_14 : vector<256x1xf32>
    %rsqrt3A = math.rsqrt %max3A_15 : vector<256x1xf32>
    %mul3A = vector.broadcast %rsqrt3A : vector<256x1xf32> to vector<256x128xf32>
    %mul3A_16 = arith.mulf %add3A, %mul3A : vector<256x128xf32>
    %get3A_17 = arith.constant 0 : index
    %get3A_18 = arith.constant 0 : index
    %get3A_19 = vector.load %arg3[%get3A_17, %get3A_18] : memref<128x128xf32, #tpu.memory_space<vmem>>, vector<128x128xf32>
    %dot_general3A = arith.constant dense<0.000000e+00> : vector<256x128xf32>
    %dot_general3A_20 = tpu.matmul %mul3A_16, %get3A_19, %dot_general3A {dimension_numbers = #tpu.dot_dimension_numbers<[1], [0], [0], [1], [0, 0, 1, 1], [], []>, transpose_lhs_hint = false} : vector<256x128xf32>, vector<128x128xf32>, vector<256x128xf32> -> vector<256x128xf32>
    %get3A_21 = arith.constant 0 : index
    %get3A_22 = vector.load %arg4[%get3A_21] : memref<128xf32, #tpu.memory_space<vmem>>, vector<128xf32>
    %broadcast_in_dim3A = vector.shape_cast %get3A_22 : vector<128xf32> to vector<1x128xf32>
    %add3A_23 = vector.broadcast %broadcast_in_dim3A : vector<1x128xf32> to vector<256x128xf32>
    %add3A_24 = arith.addf %dot_general3A_20, %add3A_23 : vector<256x128xf32>
    %max3A_25 = arith.constant 0.000000e+00 : f32
    %max3A_26 = vector.broadcast %max3A_25 : f32 to vector<256x128xf32>
    %max3A_27 = arith.maximumf %add3A_24, %max3A_26 : vector<256x128xf32>
    %get3A_28 = arith.constant 0 : index
    %get3A_29 = arith.constant 0 : index
    %get3A_30 = arith.constant 0 : index
    %get3A_31 = vector.load %arg2[%get3A_28, %get3A_29, %get3A_30] : memref<2x256x128xf32, #tpu.memory_space<vmem>>, vector<1x256x1xf32>
    %get3A_32 = vector.shape_cast %get3A_31 : vector<1x256x1xf32> to vector<256x1xf32>
    %max3A_33 = arith.constant 1.000000e+00 : f32
    %max3A_34 = vector.broadcast %max3A_33 : f32 to vector<256x1xf32>
    %max3A_35 = arith.maximumf %get3A_32, %max3A_34 : vector<256x1xf32>
    %rsqrt3A_36 = math.rsqrt %max3A_35 : vector<256x1xf32>
    %mul3A_37 = vector.broadcast %rsqrt3A_36 : vector<256x1xf32> to vector<256x128xf32>
    %mul3A_38 = arith.mulf %max3A_27, %mul3A_37 : vector<256x128xf32>
    %mul3A_39 = arith.constant 256 : i32
    %mul3A_40 = arith.muli %arg0, %mul3A_39 : i32
    %iota3A = tpu.iota {dimensions = array<i32: 0>} : vector<256x1xi32>
    %add3A_41 = vector.broadcast %mul3A_40 : i32 to vector<256x1xi32>
    %add3A_42 = arith.addi %add3A_41, %iota3A : vector<256x1xi32>
    %lt3A = arith.constant 10000 : i32
    %lt3A_43 = vector.broadcast %lt3A : i32 to vector<256x1xi32>
    %lt3A_44 = arith.cmpi slt, %add3A_42, %lt3A_43 : vector<256x1xi32>
    %jit3A = arith.constant 0.000000e+00 : f32
    %broadcast_in_dim3A_45 = vector.shape_cast %lt3A_44 : vector<256x1xi1> to vector<256x1xi1>
    %broadcast_in_dim3A_46 = vector.broadcast %broadcast_in_dim3A_45 : vector<256x1xi1> to vector<256x128xi1>
    %broadcast_in_dim3A_47 = vector.broadcast %jit3A : f32 to vector<256x128xf32>
    %select_n3A = arith.select %broadcast_in_dim3A_46, %mul3A_38, %broadcast_in_dim3A_47 : vector<256x128xi1>, vector<256x128xf32>
    %swap3A = arith.constant 0 : index
    %swap3A_48 = arith.constant 0 : index
    %swap3A_49 = vector.load %arg5[%swap3A, %swap3A_48] : memref<256x128xf32, #tpu.memory_space<vmem>>, vector<256x128xf32>
    tpu.vector_store %arg5[%swap3A, %swap3A_48], %select_n3A {strides = array<i32>} : memref<256x128xf32, #tpu.memory_space<vmem>>, vector<256x128xf32>,
    return
  }
  func.func @transform_0(%arg0: i32) -> (i32, i32, i32) {
    %c0_i32 = arith.constant 0 : i32
    %c0_i32_0 = arith.constant 0 : i32
    %c0_i32_1 = arith.constant 0 : i32
    return %c0_i32, %arg0, %c0_i32_0 : i32, i32, i32
  }
  func.func @transform_1(%arg0: i32) -> (i32, i32, i32) {
    %c0_i32 = arith.constant 0 : i32
    %c0_i32_0 = arith.constant 0 : i32
    %c0_i32_1 = arith.constant 0 : i32
    return %c0_i32, %arg0, %c0_i32_0 : i32, i32, i32
  }
  func.func @transform_2(%arg0: i32) -> (i32, i32) {
    %c0_i32 = arith.constant 0 : i32
    %c0_i32_0 = arith.constant 0 : i32
    %c0_i32_1 = arith.constant 0 : i32
    return %c0_i32, %c0_i32_0 : i32, i32
  }
  func.func @transform_3(%arg0: i32) -> i32 {
    %c0_i32 = arith.constant 0 : i32
    %c0_i32_0 = arith.constant 0 : i32
    return %c0_i32 : i32
  }
  func.func @transform_4(%arg0: i32) -> (i32, i32) {
    %c0_i32 = arith.constant 0 : i32
    %c0_i32_0 = arith.constant 0 : i32
    return %arg0, %c0_i32 : i32, i32
  }
}

module attributes {stable_mosaic.version = 14 : i64} {
  func.func @_layer2_body(%arg0: i32, %arg1: memref<2x256x128xf32, #tpu.memory_space<vmem>>, %arg2: memref<2x256x128xf32, #tpu.memory_space<vmem>>, %arg3: memref<128x128xf32, #tpu.memory_space<vmem>>, %arg4: memref<128xf32, #tpu.memory_space<vmem>>, %arg5: memref<256x128xf32, #tpu.memory_space<vmem>>) attributes {dimension_semantics = [#tpu.dimension_semantics<arbitrary>], iteration_bounds = array<i64: 40>, scalar_prefetch = 0 : i64, scratch_operands = 0 : i64, tpu.core_type = #tpu.core_type<tc>, window_params = [{transform_indices = @transform_0, window_bounds = array<i64: 2, 256, 128>}, {transform_indices = @transform_1, window_bounds = array<i64: 2, 256, 128>}, {pipeline_mode = #tpu.pipeline_mode<synchronous>, transform_indices = @transform_2, window_bounds = array<i64: 128, 128>}, {pipeline_mode = #tpu.pipeline_mode<synchronous>, transform_indices = @transform_3, window_bounds = array<i64: 128>}, {transform_indices = @transform_4, window_bounds = array<i64: 256, 128>}]} {
    %get3A = arith.constant 0 : index
    %get3A_0 = arith.constant 0 : index
    %get3A_1 = arith.constant 0 : index
    %get3A_2 = vector.load %arg1[%get3A, %get3A_0, %get3A_1] : memref<2x256x128xf32, #tpu.memory_space<vmem>>, vector<1x256x128xf32>
    %get3A_3 = vector.shape_cast %get3A_2 : vector<1x256x128xf32> to vector<256x128xf32>
    %get3A_4 = arith.constant 1 : index
    %get3A_5 = arith.constant 0 : index
    %get3A_6 = arith.constant 0 : index
    %get3A_7 = vector.load %arg1[%get3A_4, %get3A_5, %get3A_6] : memref<2x256x128xf32, #tpu.memory_space<vmem>>, vector<1x256x128xf32>
    %get3A_8 = vector.shape_cast %get3A_7 : vector<1x256x128xf32> to vector<256x128xf32>
    %add3A = arith.addf %get3A_3, %get3A_8 : vector<256x128xf32>
    %get3A_9 = arith.constant 1 : index
    %get3A_10 = arith.constant 0 : index
    %get3A_11 = arith.constant 0 : index
    %get3A_12 = vector.load %arg2[%get3A_9, %get3A_10, %get3A_11] : memref<2x256x128xf32, #tpu.memory_space<vmem>>, vector<1x256x1xf32>
    %get3A_13 = vector.shape_cast %get3A_12 : vector<1x256x1xf32> to vector<256x1xf32>
    %max3A = arith.constant 1.000000e+00 : f32
    %max3A_14 = vector.broadcast %max3A : f32 to vector<256x1xf32>
    %max3A_15 = arith.maximumf %get3A_13, %max3A_14 : vector<256x1xf32>
    %rsqrt3A = math.rsqrt %max3A_15 : vector<256x1xf32>
    %mul3A = vector.broadcast %rsqrt3A : vector<256x1xf32> to vector<256x128xf32>
    %mul3A_16 = arith.mulf %add3A, %mul3A : vector<256x128xf32>
    %get3A_17 = arith.constant 0 : index
    %get3A_18 = arith.constant 0 : index
    %get3A_19 = vector.load %arg3[%get3A_17, %get3A_18] : memref<128x128xf32, #tpu.memory_space<vmem>>, vector<128x128xf32>
    %dot_general3A = arith.constant dense<0.000000e+00> : vector<256x128xf32>
    %dot_general3A_20 = tpu.matmul %mul3A_16, %get3A_19, %dot_general3A {dimension_numbers = #tpu.dot_dimension_numbers<[1], [0], [0], [1], [0, 0, 1, 1], [], []>, transpose_lhs_hint = false} : vector<256x128xf32>, vector<128x128xf32>, vector<256x128xf32> -> vector<256x128xf32>
    %get3A_21 = arith.constant 0 : index
    %get3A_22 = vector.load %arg4[%get3A_21] : memref<128xf32, #tpu.memory_space<vmem>>, vector<128xf32>
    %broadcast_in_dim3A = vector.shape_cast %get3A_22 : vector<128xf32> to vector<1x128xf32>
    %add3A_23 = vector.broadcast %broadcast_in_dim3A : vector<1x128xf32> to vector<256x128xf32>
    %add3A_24 = arith.addf %dot_general3A_20, %add3A_23 : vector<256x128xf32>
    %swap3A = arith.constant 0 : index
    %swap3A_25 = arith.constant 0 : index
    %swap3A_26 = vector.load %arg5[%swap3A, %swap3A_25] : memref<256x128xf32, #tpu.memory_space<vmem>>, vector<256x128xf32>
    tpu.vector_store %arg5[%swap3A, %swap3A_25], %add3A_24 {strides = array<i32>} : memref<256x128xf32, #tpu.memory_space<vmem>>, vector<256x128xf32>,
    return
  }
  func.func @transform_0(%arg0: i32) -> (i32, i32, i32) {
    %c0_i32 = arith.constant 0 : i32
    %c0_i32_0 = arith.constant 0 : i32
    %c0_i32_1 = arith.constant 0 : i32
    return %c0_i32, %arg0, %c0_i32_0 : i32, i32, i32
  }
  func.func @transform_1(%arg0: i32) -> (i32, i32, i32) {
    %c0_i32 = arith.constant 0 : i32
    %c0_i32_0 = arith.constant 0 : i32
    %c0_i32_1 = arith.constant 0 : i32
    return %c0_i32, %arg0, %c0_i32_0 : i32, i32, i32
  }
  func.func @transform_2(%arg0: i32) -> (i32, i32) {
    %c0_i32 = arith.constant 0 : i32
    %c0_i32_0 = arith.constant 0 : i32
    %c0_i32_1 = arith.constant 0 : i32
    return %c0_i32, %c0_i32_0 : i32, i32
  }
  func.func @transform_3(%arg0: i32) -> i32 {
    %c0_i32 = arith.constant 0 : i32
    %c0_i32_0 = arith.constant 0 : i32
    return %c0_i32 : i32
  }
  func.func @transform_4(%arg0: i32) -> (i32, i32) {
    %c0_i32 = arith.constant 0 : i32
    %c0_i32_0 = arith.constant 0 : i32
    return %arg0, %c0_i32 : i32, i32
  }
}

</mosaic_0001>

<sc_bundles>
// kernel: kernel.11.cloned.1.call-start
scs
__scs_entry_jumppad:
0x0: {  	(pc) =	sbr.rel $0x88, $3  }
0x1: {  	(tag) =	ssettag $0x0;
	lr =	simm.s32 $0x1  }
0x2: {  	[smem:$0x3F9A] =	sst lr;
	_ =	strace $0xD0000000  }
0x3: {  	_ = 	snop  }
0x4: {  	_ = 	snop  }
0x5: {  	_ = 	snop  }
0x6: {  	_ = 	snop  }
0x7: {  	_ = 	snop  }
__scs_overlays_trampoline_lowered:
0x8: {  	[smem:$0x3FA9] =	sst s0  }
0x9: {  	[smem:$0x3FAA] =	sst s1  }
0xa: {  	[smem:$0x3FAB] =	sst s2  }
0xb: {  	[smem:$0x3FAC] =	sst s3  }
0xc: {  	[smem:$0x3FAD] =	sst s4  }
0xd: {  	[smem:$0x3FAE] =	sst s5  }
0xe: {  	[smem:$0x3FAF] =	sst s6  }
0xf: {  	[smem:$0x3FB0] =	sst s7  }
0x10: {  	[smem:$0x3FB1] =	sst s8  }
0x11: {  	[smem:$0x3FB2] =	sst s9;
	s0 =	simm.s32 @!p0 $0x0  }
0x12: {  	s1 =	sld [smem:$0x3F98];
	s0 =	simm.s32 @p0 $0x1  }
0x13: {  	[smem:$0x3FB3] =	sst s0;
	s0 =	simm.s32 @!p1 $0x0  }
0x14: {  	s2 =	sld [smem:$0x3F97];
	s0 =	simm.s32 @p1 $0x1  }
0x15: {  	[smem:$0x3FB4] =	sst s0;
	s0 =	simm.s32 @!p2 $0x0  }
0x16: {  	s3 =	sld [smem:$0x3FDB];
	s0 =	simm.s32 @p2 $0x1  }
0x17: {  	s4 =	simm.s32 $0x1BF5;
	[smem:$0x3FB6] =	sst s0  }
0x18: {  	s0 =	sld [smem:$0x3F99];
	_ =	swait.ge [sflag:s4], $0x0  }
0x19: {  	s7 =	sld [smem:$0x3F9A]  }
0x1a: {  	s8 =	sadd.s32 $0xFFFFE003, lr  }
0x1b: {  	s9 =	sadd.s32 $0xFFFFFEF7, lr;
	s5 =	simm.s32 $0xFFFFFFFF;
	p2 =	slt.u32 s8, $0xFFFFF086  }
0x1c: {  	p1 =	slt.u32 s9, $0xF7A;
	s5 =	simm.s32 @!p2 $0x0  }
0x1d: {  	s5 =	simm.s32 @p1 $0x1;
	p0 =	seq.s32 s7, s2  }
0x1e: {  	s7 =	smul.u32 @!p0 $0xF7A, s2;
	p2 =	seq.s32 @!p0 s5, $0x0  }
0x1f: {  	s9 =	smul.u32 $0xF7A, s1;
	s8 =	simm.s32 @!p0 $0x1BF5;
	p2 =	por !p2, p0  }
0x20: {  	[sflag:s8] =	ssyncset.s32 @!p0 $0xFFFFF086;
	s6 =	sadd.s32 @!p0 s3, s7;
	s7 =	simm.s32 @!p0 $0x108  }
0x21: {  	s3 =	sadd.s32 s3, s9;
	s6 =	sadd.s32 @!p0 $0x88, s6;
	s7 =	simm.s32 @p2 $0x1082  }
0x22: {  	[simem:s7], [sflag:s8] =	dma.local @!p0 [hbm:s6], $0xF7A  }
0x23: {  	s9 =	sor.u32 $0xD0000000, s2;
	s6 =	simm.s32 $0x108;
	_ =	swait.ge @!p0 [sflag:s8], $0x0  }
0x24: {  	s3 =	sadd.s32 $0x88, s3;
	s6 =	simm.s32 @!p1 $0x1082;
	[sflag:s4] =	ssyncset.s32 $0xFFFFF086  }
0x25: {  	[simem:s6], [sflag:s4] =	dma.local [hbm:s3], $0xF7A  }
0x26: {  	[smem:$0x3F9A] =	sst s1;
	(tag) =	ssettag s2;
	_ =	strace s9  }
0x27: {  	s1 =	sld [smem:$0x3FAA]  }
0x28: {  	s2 =	sld [smem:$0x3FAB]  }
0x29: {  	s4 =	sld [smem:$0x3FAD]  }
0x2a: {  	p0 =	seq.s32 s5, $0x0;
	s5 =	sld [smem:$0x3FAE]  }
0x2b: {  	s6 =	sld [smem:$0x3FAF]  }
0x2c: {  	s7 =	sld [smem:$0x3FB0]  }
0x2d: {  	s3 =	simm.s32 $0x108;
	s8 =	sld [smem:$0x3FB1]  }
0x2e: {  	s3 =	simm.s32 @!p0 $0x1082;
	s9 =	sld [smem:$0x3FB2]  }
0x2f: {  	lr =	sadd.s32 s0, s3;
	s0 =	sld [smem:$0x3FA9]  }
0x30: {  	s3 =	sld [smem:$0x3FAC]  }
0x31: {  	[smem:$0x3FB5] =	sst s10  }
0x32: {  	s10 =	sld [smem:$0x3FB3];
	_ =	sdelay $0x3  }
0x33: {  	p0 =	seq.s32 s10, $0x1;
	s10 =	sld [smem:$0x3FB5];
	_ =	sdelay $0x3  }
0x34: {  	[smem:$0x3FB5] =	sst s10  }
0x35: {  	s10 =	sld [smem:$0x3FB4];
	_ =	sdelay $0x3  }
0x36: {  	p1 =	seq.s32 s10, $0x1;
	s10 =	sld [smem:$0x3FB5];
	_ =	sdelay $0x3  }
0x37: {  	[smem:$0x3FB5] =	sst s10  }
0x38: {  	s10 =	sld [smem:$0x3FB6]  }
0x39: {  	_ = 	snop;
	(pc) =	sbr.ind lr, $3  }
0x3a: {  	_ = 	snop  }
0x3b: {  	_ = 	snop  }
0x3c: {  	p2 =	seq.s32 s10, $0x1;
	s10 =	sld [smem:$0x3FB5]  }
0x3d: {  	_ =	shalt  }
0x3e: {  	_ =	shalt  }
0x3f: {  	_ =	shalt  }
0x40: {  	_ =	shalt  }
0x41: {  	_ =	shalt  }
0x42: {  	_ =	shalt  }
0x43: {  	_ =	shalt  }
0x44: {  	_ =	shalt  }
0x45: {  	_ =	shalt  }
0x46: {  	_ =	shalt  }
0x47: {  	_ =	shalt  }
0x48: {  	_ =	shalt  }
0x49: {  	_ =	shalt  }
0x4a: {  	_ =	shalt  }
0x4b: {  	_ =	shalt  }
0x4c: {  	_ =	shalt  }
0x4d: {  	_ =	shalt  }
0x4e: {  	_ =	shalt  }
0x4f: {  	_ =	shalt  }
0x50: {  	_ =	shalt  }
0x51: {  	_ =	shalt  }
0x52: {  	_ =	shalt  }
0x53: {  	_ =	shalt  }
0x54: {  	_ =	shalt  }
0x55: {  	_ =	shalt  }
0x56: {  	_ =	shalt  }
0x57: {  	_ =	shalt  }
0x58: {  	_ =	shalt  }
0x59: {  	_ =	shalt  }
0x5a: {  	_ =	shalt  }
0x5b: {  	_ =	shalt  }
0x5c: {  	_ =	shalt  }
0x5d: {  	_ =	shalt  }
0x5e: {  	_ =	shalt  }
0x5f: {  	_ =	shalt  }
0x60: {  	_ =	shalt  }
0x61: {  	_ =	shalt  }
0x62: {  	_ =	shalt  }
0x63: {  	_ =	shalt  }
0x64: {  	_ =	shalt  }
0x65: {  	_ =	shalt  }
0x66: {  	_ =	shalt  }
0x67: {  	_ =	shalt  }
0x68: {  	_ =	shalt  }
0x69: {  	_ =	shalt  }
0x6a: {  	_ =	shalt  }
0x6b: {  	_ =	shalt  }
0x6c: {  	_ =	shalt  }
0x6d: {  	_ =	shalt  }
0x6e: {  	_ =	shalt  }
0x6f: {  	_ =	shalt  }
0x70: {  	_ =	shalt  }
0x71: {  	_ =	shalt  }
0x72: {  	_ =	shalt  }
0x73: {  	_ =	shalt  }
0x74: {  	_ =	shalt  }
0x75: {  	_ =	shalt  }
0x76: {  	_ =	shalt  }
0x77: {  	_ =	shalt  }
0x78: {  	_ =	shalt  }
0x79: {  	_ =	shalt  }
0x7a: {  	_ =	shalt  }
0x7b: {  	_ =	shalt  }
0x7c: {  	_ =	shalt  }
0x7d: {  	_ =	shalt  }
0x7e: {  	_ =	shalt  }
0x7f: {  	_ =	shalt  }
0x80: {  	_ =	shalt  }
0x81: {  	_ =	shalt  }
0x82: {  	_ =	shalt  }
0x83: {  	_ =	shalt  }
0x84: {  	_ =	shalt  }
0x85: {  	_ =	shalt  }
0x86: {  	_ =	shalt  }
0x87: {  	_ =	shalt  }
.Lfunc_end0:
.L_simem_size_0:
called_computation.1_lowered:
.L_overlay_start_0:
0x88: {  	s2 =	sld [smem:$0x3FD9]  }
0x89: {  	s3 =	sld [smem:$0x3FFE];
	_ =	sdelay $0x1  }
0x8a: {  	s1 =	srdreg.scid  }
0x8b: {  	s0 =	sand.u32 $0x1, s1  }
0x8c: {  	s17 =	sshll.u32 s0, $0xA;
	s2 =	sadd.s32 s3, s2  }
0x8d: {  	s2 =	sadd.s32 s2, s17  }
0x8e: {  	[smem:$0x3FC1] =	sst s2  }
0x8f: {  	_ = 	snop  }
0x90: {  	s2 =	sld [smem:$0x3FD0];
	(tm) =	ssettm $0x1  }
0x91: {  	s18 =	sld [smem:$0x3FFB];
	_ =	sdelay $0x3  }
0x92: {  	_ =	strace s18  }
0x93: {  	s3 =	sld [smem:$0x3FFC];
	_ =	sdelay $0x3  }
0x94: {  	_ =	strace s3  }
0x95: {  	s3 =	sld [smem:$0x3FFD];
	_ =	sdelay $0x3  }
0x96: {  	_ =	strace s3  }
0x97: {  	_ =	strace $0x8FFFFFFF  }
0x98: {  	s19 =	sld [smem:$0x3FDB];
	_ =	sdelay $0x1  }
0x99: {  	s4 =	simm.s32 $_scs_section_size  }
0x9a: {  	s5 =	simm.s32 $_size__tile_overlayer_lowered;
	s6 =	simm.s32 $_tile_overlayer_lowered  }
0x9b: {  	s22 =	simm.s32 $0x1BFF;
	s21 =	sshll.u32 s6, $0x1;
	s3 =	sadd.s32 s4, s19  }
0x9c: {  	s7 =	simm.s32 $0x0;
	s20 =	sshll.u32 s5, $0x1;
	s5 =	sadd.s32 s21, s3  }
0x9d: {  	[timem:s7], [sflag:s22] =	dma.local [hbm:s5], s20  }
0x9e: {  	_ =	swait.ge [sflag:s22], s20  }
0x9f: {  	s4 =	ssub.s32 $0x0, s20;
	[sflag:s22] =	ssyncset.done $0x0  }
0xa0: {  	[sflag:s22] =	ssyncadd.s32 s4;
	_ =	sdelay $0x1  }
0xa1: {  	s23 =	simm.s32 $0x1B8B  }
0xa2: {  	_ =	swait.ge [sflag:s23], $0x1  }
0xa3: {  	[sflag:s23] =	ssyncset.done $0x0  }
0xa4: {  	s25 =	simm.s32 $0x1B8E;
	s24 =	sld [smem:$0x3FFE];
	[sflag:s23] =	ssyncadd.s32 $0xFFFFFFFF  }
0xa5: {  	s26 =	simm.s32 $execute0_lowered;
	[smem:$0x3FD2] =	sst s25  }
0xa6: {  	s5 =	sshll.u32 s26, $0x1;
	_ =	strace $0x80000049;
	[dreg:$0x1] =	wrdreg $0xFFFFFFFF  }
0xa7: {  	s28 =	simm.s32 $_size_execute0_lowered;
	s3 =	sadd.s32 s3, s5;
	[dreg:$0x0] =	wrdreg $0x0  }
0xa8: {  	s5 =	sshll.u32 s28, $0x1;
	[dreg:$0x2] =	wrdreg s3  }
0xa9: {  	[dreg:$0x3] =	wrdreg s5  }
0xaa: {  	[dreg:$0x4] =	wrdreg $0xC0  }
0xab: {  	_ =	task [dreg:s7], $0x5FFFF  }
0xac: {  	[dreg:$0x1] =	wrdreg $0xFFFFFFFF  }
0xad: {  	[dreg:$0x0] =	wrdreg $0x60  }
0xae: {  	[dreg:$0x2] =	wrdreg s24  }
0xaf: {  	[dreg:$0x3] =	wrdreg s2  }
0xb0: {  	[dreg:$0x4] =	wrdreg $0x41000  }
0xb1: {  	[dreg:$0x5] =	wrdreg $0x9  }
0xb2: {  	_ =	task.clear_ibuf [dreg:s7], $0x6FFFF;
	_ =	strace $0x90000049  }
0xb3: {  	s29 =	simm.s32 $0x9;
	_ =	strace $0x8000004B  }
0xb4: {  	_ =	swait.ge [sflag:s29], $0x1  }
0xb5: {  	[sflag:s29] =	ssyncadd.s32 $0xFFFFFFFF  }
0xb6: {  	_ =	strace $0x9000004B  }
0xb7: {  	_ =	sfence  }
0xb8: {  	s30 =	sld [smem:$0x0];
	_ =	sdelay $0x2  }
0xb9: {  	s31 =	sshll.u32 s1, $0xD;
	s1 =	sshrl.u32 s1, $0x2  }
0xba: {  	s3 =	sand.u32 $0x4000, s31;
	s1 =	sadd.s32 s1, s30  }
0xbb: {  	s0 =	sor.u32 s3, s0;
	s1 =	sshll.u32 s1, $0x11  }
0xbc: {  	s0 =	sor.u32 s1, s0  }
0xbd: {  	s0 =	sadd.s32 $0x8F2B, s0  }
0xbe: {  	[sflag:s0] =	ssyncadd.remote.s32 $0x1  }
0xbf: {  	_ =	sfence.sel $0xFFFF  }
0xc0: {  	[dreg:$0x0] =	wrdreg $0xFFFFFFFF;
	(pc) =	sbr.abs _section_cstart, $3  }
0xc1: {  	[dreg:$0x1] =	wrdreg $0xFFFFFFFF  }
0xc2: {  	_ =	task.clear_ibuf [dreg:s7], $0x2FFFF;
	_ =	strace $0x9FFFFFFF  }
0xc3: {  	(tm) =	ssettm $0x7FFFFFFF  }
tec
execute0_lowered:
.L_overlay_start_1:
0x0: {  	(tag) =	ssettag $0x1  }
0x1: {  	s6 =	rddreg [dreg:$0x0]  }
0x2: {  	s18 =	rddreg [dreg:$0x1]  }
0x3: {  	s2 =	rddreg [dreg:$0x2]  }
0x4: {  	s0 =	rddreg [dreg:$0x3];
	s3 =	simm.s32 $0x0;
	s1 =	stileid.u32  }
0x5: {  	s5 =	srdreg.scid;
	s23 =	simm.s32 $0x0;
	s19 =	smul.u32 $0x9E0, s1  }
0x6: {  	[smem:$0x7FF] =	sst s3;
	s4 =	sadd.s32 $0x5D200, s6;
	s7 =	smul.u32 $0x50000, s1  }
0x7: {  	s13 =	sand.u32 $0x1, s5;
	s11 =	smul.u32 $0x14000, s1;
	s5 =	sadd.s32 $0xC200, s6  }
0x8: {  	s15 =	sadd.s32 $0x85200, s6;
	_ =	strace $0x8000004A;
	s21 =	smul.u32 $0x140000, s13  }
0x9: {  	s26 =	ssub.s32 $0x2, s13;
	s28 =	smul.u32 $0x4F0, s13;
	s16 =	sadd.s32 s19, s6  }
0xa: {  	s8 =	sshrl.u32 s26, $0x1;
	s7 =	sshrl.u32 s7, $0x2;
	s12 =	sadd.s32 $0x4000, s11  }
0xb: {  	s14 =	sadd.s32 $0x8000, s11;
	s20 =	sadd.s32 $0xC000, s11;
	s22 =	sadd.s32 $0x10000, s11  }
0xc: {  	s18 =	sadd.s32 s19, s18;
	s19 =	simm.s32 $0x100;
	s17 =	ssub.s32 s26, s8  }
0xd: {  	s6 =	sadd.s32 s7, s2;
	s7 =	sadd.s32 s12, s2;
	s8 =	sadd.s32 s14, s2  }
0xe: {  	s9 =	sadd.s32 s20, s2;
	s10 =	sadd.s32 s22, s2;
	s11 =	sadd.s32 s11, s21  }
0xf: {  	s12 =	sadd.s32 s21, s12;
	s14 =	sadd.s32 s21, s14;
	s20 =	sadd.s32 s21, s20  }
0x10: {  	s21 =	sadd.s32 s21, s22;
	s31 =	sadd.s32 s28, s16;
	s18 =	sadd.s32 s28, s18  }
0x11: {  	s22 =	simm.s32 $0x1;
	s11 =	sshrl.u32 s11, $0x3;
	s12 =	sshrl.u32 s12, $0x3  }
0x12: {  	s14 =	sshrl.u32 s14, $0x3;
	s29 =	sshrl.u32 s20, $0x3;
	s30 =	sshrl.u32 s21, $0x3  }
0x13: {  	s16 =	smax.u32 s17, $0x1;
	s17 =	sadd.s32 $0x2400, s31;
	s20 =	simm.s32 $0x2  }
0x14: {  	s21 =	simm.s32 $0x80;
	s11 =	sadd.s32 s15, s11;
	s12 =	sadd.s32 s15, s12  }
0x15: {  	s13 =	sadd.s32 s15, s14;
	s14 =	sadd.s32 s15, s29;
	s15 =	sadd.s32 s15, s30  }
.LBB2_1:
0x16: {  	[tilespmem:s19], [sflag:$0x2] =	stream.linear.gather [hbm4b:s5+s3], $0x4000, $0x38;
	[tilespmem:$0x18100] =	vst v63  }
0x17: {  	_ =	swait.ge [sflag:s20], $0x4000  }
0x18: {  	[sflag:s20] =	ssyncset.done $0x0  }
0x19: {  	[sflag:s20] =	ssyncadd.s32 $0xFFFFC000  }
0x1a: {  	[spmem:s6] =	stream.linear.scatter [tilespmem:s19], [sflag:$0x2], $0x4000, $0x38;
	[tilespmem:$0x18100] =	vst v63  }
0x1b: {  	_ =	swait.ge [sflag:s20], $0x4000  }
0x1c: {  	[sflag:s20] =	ssyncset.done $0x0  }
0x1d: {  	[sflag:s20] =	ssyncadd.s32 $0xFFFFC000  }
0x1e: {  	[spmem:s7] =	stream.linear.scatter [tilespmem:s19], [sflag:$0x2], $0x4000, $0x38;
	[tilespmem:$0x18100] =	vst v63  }
0x1f: {  	_ =	swait.ge [sflag:s20], $0x4000  }
0x20: {  	[sflag:s20] =	ssyncset.done $0x0  }
0x21: {  	[sflag:s20] =	ssyncadd.s32 $0xFFFFC000  }
0x22: {  	[spmem:s8] =	stream.linear.scatter [tilespmem:s19], [sflag:$0x2], $0x4000, $0x38;
	[tilespmem:$0x18100] =	vst v63  }
0x23: {  	_ =	swait.ge [sflag:s20], $0x4000  }
0x24: {  	[sflag:s20] =	ssyncset.done $0x0  }
0x25: {  	[sflag:s20] =	ssyncadd.s32 $0xFFFFC000  }
0x26: {  	[spmem:s9] =	stream.linear.scatter [tilespmem:s19], [sflag:$0x2], $0x4000, $0x38;
	[tilespmem:$0x18100] =	vst v63  }
0x27: {  	_ =	swait.ge [sflag:s20], $0x4000  }
0x28: {  	[sflag:s20] =	ssyncset.done $0x0  }
0x29: {  	[sflag:s20] =	ssyncadd.s32 $0xFFFFC000  }
0x2a: {  	[spmem:s10] =	stream.linear.scatter [tilespmem:s19], [sflag:$0x2], $0x4000, $0x38;
	[tilespmem:$0x18100] =	vst v63  }
0x2b: {  	_ =	swait.ge [sflag:s20], $0x4000  }
0x2c: {  	[sflag:s20] =	ssyncset.done $0x0  }
0x2d: {  	[sflag:s20] =	ssyncadd.s32 $0xFFFFC000  }
0x2e: {  	s24 =	sadd.s32 $0x0, s18;
	[bflag:$0x0] =	sbarrier.arrive $0xFFFF  }
0x2f: {  	[tilespmem:s3], [sflag:$0x2] =	stream.linear.gather [hbm4b:s24+s3], $0x80, $0x38;
	[tilespmem:$0x18100] =	vst v63  }
0x30: {  	_ =	swait.ge [sflag:s20], $0x80  }
0x31: {  	[sflag:s20] =	ssyncset.done $0x0  }
0x32: {  	s31 =	sadd.s32 $0x0, s17;
	[sflag:s20] =	ssyncadd.s32 $0xFFFFFF80  }
0x33: {  	[tilespmem:s21], [sflag:$0x2] =	stream.linear.gather [hbm4b:s31+s3], $0x80, $0x38;
	[tilespmem:$0x18100] =	vst v63  }
0x34: {  	_ =	swait.ge [sflag:s20], $0x80  }
0x35: {  	[sflag:s20] =	ssyncset.done $0x0  }
0x36: {  	[sflag:s20] =	ssyncadd.s32 $0xFFFFFF80  }
0x37: {  	[tilespmem:s19], [sflag:$0x1] =	stream.indirect.gather [hbm4b:s4+s21], $0x80, s3, s21, $0xb8;
	[tilespmem:$0x18100] =	vst v63  }
0x38: {  	_ =	swait.ge [sflag:s22], $0x4000  }
0x39: {  	[sflag:s22] =	ssyncset.done $0x0  }
0x3a: {  	[sflag:s22] =	ssyncadd.s32 $0xFFFFC000  }
0x3b: {  	[spmem:s2] =	stream.indirect.scatter.add.f32 [tilespmem:s19], [sflag:$0x2], $0x80, s21, s21, $0xb8;
	[tilespmem:$0x18100] =	vst v63  }
0x3c: {  	_ =	swait.ge [sflag:s20], $0x4000  }
0x3d: {  	s25 =	simm.s32 $0x20;
	s24 =	simm.s32 $0x10;
	[sflag:s20] =	ssyncset.done $0x0  }
.LBB2_2:
0x3e: {  	s26 =	sadd.s32 s24, s18  }
0x3f: {  	[sflag:s20] =	ssyncadd.s32 $0xFFFFC000;
	s28 =	smov.u32 s25;
	s29 =	sadd.s32 $0x10, s25  }
0x40: {  	[tilespmem:s3], [sflag:$0x2] =	stream.linear.gather [hbm4b:s26+s3], $0x80, $0x38;
	[tilespmem:$0x18100] =	vst v63  }
0x41: {  	p0 =	sne.s32 s25, $0x4E0;
	_ =	swait.ge [sflag:s20], $0x80  }
0x42: {  	[sflag:s20] =	ssyncset.done $0x0  }
0x43: {  	s25 =	sadd.s32 s24, s17;
	s24 =	smov.u32 s28;
	[sflag:s20] =	ssyncadd.s32 $0xFFFFFF80  }
0x44: {  	[tilespmem:s21], [sflag:$0x2] =	stream.linear.gather [hbm4b:s25+s3], $0x80, $0x38;
	[tilespmem:$0x18100] =	vst v63  }
0x45: {  	_ =	swait.ge [sflag:s20], $0x80  }
0x46: {  	[sflag:s20] =	ssyncset.done $0x0  }
0x47: {  	[sflag:s20] =	ssyncadd.s32 $0xFFFFFF80  }
0x48: {  	[tilespmem:s19], [sflag:$0x1] =	stream.indirect.gather [hbm4b:s4+s21], $0x80, s3, s21, $0xb8;
	[tilespmem:$0x18100] =	vst v63  }
0x49: {  	_ =	swait.ge [sflag:s22], $0x4000  }
.Ltmp0:
0x4a: {  	[sflag:s22] =	ssyncset.done $0x0;
	(pc) =	sbr.rel @p0 .LBB2_2-.Ltmp0, $4  }
0x4b: {  	[sflag:s22] =	ssyncadd.s32 $0xFFFFC000  }
0x4c: {  	[spmem:s2] =	stream.indirect.scatter.add.f32 [tilespmem:s19], [sflag:$0x2], $0x80, s21, s21, $0xb8;
	[tilespmem:$0x18100] =	vst v63  }
0x4d: {  	_ =	swait.ge [sflag:s20], $0x4000  }
0x4e: {  	s25 =	smov.u32 s29;
	[sflag:s20] =	ssyncset.done $0x0  }
0x4f: {  	s25 =	sadd.s32 s24, s18;
	[sflag:s20] =	ssyncadd.s32 $0xFFFFC000  }
0x50: {  	[tilespmem:s3], [sflag:$0x2] =	stream.linear.gather [hbm4b:s25+s3], $0x80, $0x38;
	[tilespmem:$0x18100] =	vst v63  }
0x51: {  	_ =	swait.ge [sflag:s20], $0x80  }
0x52: {  	[sflag:s20] =	ssyncset.done $0x0  }
0x53: {  	s31 =	sadd.s32 s24, s17;
	[sflag:s20] =	ssyncadd.s32 $0xFFFFFF80  }
0x54: {  	[tilespmem:s21], [sflag:$0x2] =	stream.linear.gather [hbm4b:s31+s3], $0x80, $0x38;
	[tilespmem:$0x18100] =	vst v63  }
0x55: {  	_ =	swait.ge [sflag:s20], $0x80  }
0x56: {  	[sflag:s20] =	ssyncset.done $0x0  }
0x57: {  	[sflag:s20] =	ssyncadd.s32 $0xFFFFFF80  }
0x58: {  	[tilespmem:s19], [sflag:$0x1] =	stream.indirect.gather [hbm4b:s4+s21], $0x80, s3, s21, $0xb8;
	[tilespmem:$0x18100] =	vst v63  }
0x59: {  	_ =	swait.ge [sflag:s22], $0x4000  }
0x5a: {  	[sflag:s22] =	ssyncset.done $0x0  }
0x5b: {  	[sflag:s22] =	ssyncadd.s32 $0xFFFFC000  }
0x5c: {  	[spmem:s2] =	stream.indirect.scatter.add.f32 [tilespmem:s19], [sflag:$0x2], $0x80, s21, s21, $0xb8;
	[tilespmem:$0x18100] =	vst v63  }
0x5d: {  	_ =	swait.ge [sflag:s20], $0x4000  }
0x5e: {  	[sflag:s20] =	ssyncset.done $0x0  }
0x5f: {  	[sflag:s20] =	ssyncadd.s32 $0xFFFFC000  }
0x60: {  	[bflag:$0x0] =	sbarrier.arrive $0xFFFF  }
0x61: {  	[tilespmem:s19], [sflag:$0x2] =	stream.linear.gather [spmem:s6], $0x4000, $0x38;
	[tilespmem:$0x18100] =	vst v63  }
0x62: {  	_ =	swait.ge [sflag:s20], $0x4000  }
0x63: {  	[sflag:s20] =	ssyncset.done $0x0  }
0x64: {  	[sflag:s20] =	ssyncadd.s32 $0xFFFFC000  }
0x65: {  	[hbm4b:s11+s3] =	stream.linear.scatter [tilespmem:s19], [sflag:$0x2], $0x4000, $0x38;
	[tilespmem:$0x18100] =	vst v63  }
0x66: {  	_ =	swait.ge [sflag:s20], $0x4000  }
0x67: {  	[sflag:s20] =	ssyncset.done $0x0  }
0x68: {  	[sflag:s20] =	ssyncadd.s32 $0xFFFFC000  }
0x69: {  	[tilespmem:s19], [sflag:$0x2] =	stream.linear.gather [spmem:s7], $0x4000, $0x38;
	[tilespmem:$0x18100] =	vst v63  }
0x6a: {  	_ =	swait.ge [sflag:s20], $0x4000  }
0x6b: {  	[sflag:s20] =	ssyncset.done $0x0  }
0x6c: {  	[sflag:s20] =	ssyncadd.s32 $0xFFFFC000  }
0x6d: {  	[hbm4b:s12+s3] =	stream.linear.scatter [tilespmem:s19], [sflag:$0x2], $0x4000, $0x38;
	[tilespmem:$0x18100] =	vst v63  }
0x6e: {  	_ =	swait.ge [sflag:s20], $0x4000  }
0x6f: {  	[sflag:s20] =	ssyncset.done $0x0  }
0x70: {  	[sflag:s20] =	ssyncadd.s32 $0xFFFFC000  }
0x71: {  	[tilespmem:s19], [sflag:$0x2] =	stream.linear.gather [spmem:s8], $0x4000, $0x38;
	[tilespmem:$0x18100] =	vst v63  }
0x72: {  	_ =	swait.ge [sflag:s20], $0x4000  }
0x73: {  	[sflag:s20] =	ssyncset.done $0x0  }
0x74: {  	[sflag:s20] =	ssyncadd.s32 $0xFFFFC000  }
0x75: {  	[hbm4b:s13+s3] =	stream.linear.scatter [tilespmem:s19], [sflag:$0x2], $0x4000, $0x38;
	[tilespmem:$0x18100] =	vst v63  }
0x76: {  	_ =	swait.ge [sflag:s20], $0x4000  }
0x77: {  	[sflag:s20] =	ssyncset.done $0x0  }
0x78: {  	[sflag:s20] =	ssyncadd.s32 $0xFFFFC000  }
0x79: {  	[tilespmem:s19], [sflag:$0x2] =	stream.linear.gather [spmem:s9], $0x4000, $0x38;
	[tilespmem:$0x18100] =	vst v63  }
0x7a: {  	_ =	swait.ge [sflag:s20], $0x4000  }
0x7b: {  	[sflag:s20] =	ssyncset.done $0x0  }
0x7c: {  	[sflag:s20] =	ssyncadd.s32 $0xFFFFC000  }
0x7d: {  	[hbm4b:s14+s3] =	stream.linear.scatter [tilespmem:s19], [sflag:$0x2], $0x4000, $0x38;
	[tilespmem:$0x18100] =	vst v63  }
0x7e: {  	_ =	swait.ge [sflag:s20], $0x4000  }
0x7f: {  	[sflag:s20] =	ssyncset.done $0x0  }
0x80: {  	[sflag:s20] =	ssyncadd.s32 $0xFFFFC000  }
0x81: {  	[tilespmem:s19], [sflag:$0x2] =	stream.linear.gather [spmem:s10], $0x4000, $0x38;
	[tilespmem:$0x18100] =	vst v63  }
0x82: {  	s23 =	sadd.s32 $0x1, s23;
	_ =	swait.ge [sflag:s20], $0x4000  }
0x83: {  	p0 =	sne.s32 s23, s16;
	[sflag:s20] =	ssyncset.done $0x0  }
.Ltmp1:
0x84: {  	[sflag:s20] =	ssyncadd.s32 $0xFFFFC000;
	(pc) =	sbr.rel @p0 .LBB2_1-.Ltmp1, $4  }
0x85: {  	[hbm4b:s15+s3] =	stream.linear.scatter [tilespmem:s19], [sflag:$0x2], $0x4000, $0x38;
	[tilespmem:$0x18100] =	vst v63  }
0x86: {  	_ =	swait.ge [sflag:s20], $0x4000  }
0x87: {  	[sflag:s20] =	ssyncset.done $0x0  }
0x88: {  	[sflag:s20] =	ssyncadd.s32 $0xFFFFC000  }
0x89: {  	_ =	sfence.sel $0x180000  }
0x8a: {  	[bflag:$0x0] =	sbarrier.arrive $0xFFFF  }
0x8b: {  	p0 =	sne.s32 s1, $0x0;
	_ =	strace $0x9000004A  }
0x8c: {  	s0 =	sadd.s32 @!p0 $0x100000, s0;
	[bflag:$0x2] =	sbarrier.arrive $0xFFFF  }
0x8d: {  	[sflag:s0] =	ssyncadd.tile.s32 @!p0 $0x1;
	_ =	shalt  }
.Lfunc_end2:
_tile_overlayer_lowered:
.L_overlay_start_2:
0x8e: {  	(tag) =	ssettag $0x2  }
0x8f: {  	s0 =	rddreg [dreg:$0x0];
	s2 =	stileid.u32  }
0x90: {  	s1 =	rddreg [dreg:$0x1];
	p0 =	sne.s32 s2, $0x0  }
0x91: {  	s3 =	rddreg [dreg:$0x2];
	[bflag:$0x3] =	sbarrier.arrive $0xFFFF;
	s2 =	simm.s32 @!p0 $0x1C02  }
0x92: {  	[timem:s3], [sflag:s2] =	dma.local @!p0 [hbm:s0], s1  }
0x93: {  	s0 =	simm.s32 @!p0 $0x2  }
0x94: {  	_ =	swait.ge @!p0 [sflag:s0], s1  }
0x95: {  	s1 =	ssub.s32 @!p0 $0x0, s1;
	[sflag:s0] =	ssyncset.done @!p0 $0x0  }
0x96: {  	[sflag:s0] =	ssyncadd.s32 @!p0 s1  }
0x97: {  	[bflag:$0x3] =	sbarrier.arrive $0xFFFF  }
0x98: {  	_ =	shalt  }

// kernel: kernel.14.cloned.1.call-start
scs
__scs_entry_jumppad:
0x0: {  	(pc) =	sbr.rel $0x88, $3  }
0x1: {  	(tag) =	ssettag $0x0;
	lr =	simm.s32 $0x1  }
0x2: {  	[smem:$0x3F9A] =	sst lr;
	_ =	strace $0xD0000000  }
0x3: {  	_ = 	snop  }
0x4: {  	_ = 	snop  }
0x5: {  	_ = 	snop  }
0x6: {  	_ = 	snop  }
0x7: {  	_ = 	snop  }
__scs_overlays_trampoline_lowered:
0x8: {  	[smem:$0x3FA9] =	sst s0  }
0x9: {  	[smem:$0x3FAA] =	sst s1  }
0xa: {  	[smem:$0x3FAB] =	sst s2  }
0xb: {  	[smem:$0x3FAC] =	sst s3  }
0xc: {  	[smem:$0x3FAD] =	sst s4  }
0xd: {  	[smem:$0x3FAE] =	sst s5  }
0xe: {  	[smem:$0x3FAF] =	sst s6  }
0xf: {  	[smem:$0x3FB0] =	sst s7  }
0x10: {  	[smem:$0x3FB1] =	sst s8  }
0x11: {  	[smem:$0x3FB2] =	sst s9;
	s0 =	simm.s32 @!p0 $0x0  }
0x12: {  	s1 =	sld [smem:$0x3F98];
	s0 =	simm.s32 @p0 $0x1  }
0x13: {  	[smem:$0x3FB3] =	sst s0;
	s0 =	simm.s32 @!p1 $0x0  }
0x14: {  	s2 =	sld [smem:$0x3F97];
	s0 =	simm.s32 @p1 $0x1  }
0x15: {  	[smem:$0x3FB4] =	sst s0;
	s0 =	simm.s32 @!p2 $0x0  }
0x16: {  	s3 =	sld [smem:$0x3FDB];
	s0 =	simm.s32 @p2 $0x1  }
0x17: {  	s4 =	simm.s32 $0x1BF5;
	[smem:$0x3FB6] =	sst s0  }
0x18: {  	s0 =	sld [smem:$0x3F99];
	_ =	swait.ge [sflag:s4], $0x0  }
0x19: {  	s7 =	sld [smem:$0x3F9A]  }
0x1a: {  	s8 =	sadd.s32 $0xFFFFE003, lr  }
0x1b: {  	s9 =	sadd.s32 $0xFFFFFEF7, lr;
	s5 =	simm.s32 $0xFFFFFFFF;
	p2 =	slt.u32 s8, $0xFFFFF086  }
0x1c: {  	p1 =	slt.u32 s9, $0xF7A;
	s5 =	simm.s32 @!p2 $0x0  }
0x1d: {  	s5 =	simm.s32 @p1 $0x1;
	p0 =	seq.s32 s7, s2  }
0x1e: {  	s7 =	smul.u32 @!p0 $0xF7A, s2;
	p2 =	seq.s32 @!p0 s5, $0x0  }
0x1f: {  	s9 =	smul.u32 $0xF7A, s1;
	s8 =	simm.s32 @!p0 $0x1BF5;
	p2 =	por !p2, p0  }
0x20: {  	[sflag:s8] =	ssyncset.s32 @!p0 $0xFFFFF086;
	s6 =	sadd.s32 @!p0 s3, s7;
	s7 =	simm.s32 @!p0 $0x108  }
0x21: {  	s3 =	sadd.s32 s3, s9;
	s6 =	sadd.s32 @!p0 $0x88, s6;
	s7 =	simm.s32 @p2 $0x1082  }
0x22: {  	[simem:s7], [sflag:s8] =	dma.local @!p0 [hbm:s6], $0xF7A  }
0x23: {  	s9 =	sor.u32 $0xD0000000, s2;
	s6 =	simm.s32 $0x108;
	_ =	swait.ge @!p0 [sflag:s8], $0x0  }
0x24: {  	s3 =	sadd.s32 $0x88, s3;
	s6 =	simm.s32 @!p1 $0x1082;
	[sflag:s4] =	ssyncset.s32 $0xFFFFF086  }
0x25: {  	[simem:s6], [sflag:s4] =	dma.local [hbm:s3], $0xF7A  }
0x26: {  	[smem:$0x3F9A] =	sst s1;
	(tag) =	ssettag s2;
	_ =	strace s9  }
0x27: {  	s1 =	sld [smem:$0x3FAA]  }
0x28: {  	s2 =	sld [smem:$0x3FAB]  }
0x29: {  	s4 =	sld [smem:$0x3FAD]  }
0x2a: {  	p0 =	seq.s32 s5, $0x0;
	s5 =	sld [smem:$0x3FAE]  }
0x2b: {  	s6 =	sld [smem:$0x3FAF]  }
0x2c: {  	s7 =	sld [smem:$0x3FB0]  }
0x2d: {  	s3 =	simm.s32 $0x108;
	s8 =	sld [smem:$0x3FB1]  }
0x2e: {  	s3 =	simm.s32 @!p0 $0x1082;
	s9 =	sld [smem:$0x3FB2]  }
0x2f: {  	lr =	sadd.s32 s0, s3;
	s0 =	sld [smem:$0x3FA9]  }
0x30: {  	s3 =	sld [smem:$0x3FAC]  }
0x31: {  	[smem:$0x3FB5] =	sst s10  }
0x32: {  	s10 =	sld [smem:$0x3FB3];
	_ =	sdelay $0x3  }
0x33: {  	p0 =	seq.s32 s10, $0x1;
	s10 =	sld [smem:$0x3FB5];
	_ =	sdelay $0x3  }
0x34: {  	[smem:$0x3FB5] =	sst s10  }
0x35: {  	s10 =	sld [smem:$0x3FB4];
	_ =	sdelay $0x3  }
0x36: {  	p1 =	seq.s32 s10, $0x1;
	s10 =	sld [smem:$0x3FB5];
	_ =	sdelay $0x3  }
0x37: {  	[smem:$0x3FB5] =	sst s10  }
0x38: {  	s10 =	sld [smem:$0x3FB6]  }
0x39: {  	_ = 	snop;
	(pc) =	sbr.ind lr, $3  }
0x3a: {  	_ = 	snop  }
0x3b: {  	_ = 	snop  }
0x3c: {  	p2 =	seq.s32 s10, $0x1;
	s10 =	sld [smem:$0x3FB5]  }
0x3d: {  	_ =	shalt  }
0x3e: {  	_ =	shalt  }
0x3f: {  	_ =	shalt  }
0x40: {  	_ =	shalt  }
0x41: {  	_ =	shalt  }
0x42: {  	_ =	shalt  }
0x43: {  	_ =	shalt  }
0x44: {  	_ =	shalt  }
0x45: {  	_ =	shalt  }
0x46: {  	_ =	shalt  }
0x47: {  	_ =	shalt  }
0x48: {  	_ =	shalt  }
0x49: {  	_ =	shalt  }
0x4a: {  	_ =	shalt  }
0x4b: {  	_ =	shalt  }
0x4c: {  	_ =	shalt  }
0x4d: {  	_ =	shalt  }
0x4e: {  	_ =	shalt  }
0x4f: {  	_ =	shalt  }
0x50: {  	_ =	shalt  }
0x51: {  	_ =	shalt  }
0x52: {  	_ =	shalt  }
0x53: {  	_ =	shalt  }
0x54: {  	_ =	shalt  }
0x55: {  	_ =	shalt  }
0x56: {  	_ =	shalt  }
0x57: {  	_ =	shalt  }
0x58: {  	_ =	shalt  }
0x59: {  	_ =	shalt  }
0x5a: {  	_ =	shalt  }
0x5b: {  	_ =	shalt  }
0x5c: {  	_ =	shalt  }
0x5d: {  	_ =	shalt  }
0x5e: {  	_ =	shalt  }
0x5f: {  	_ =	shalt  }
0x60: {  	_ =	shalt  }
0x61: {  	_ =	shalt  }
0x62: {  	_ =	shalt  }
0x63: {  	_ =	shalt  }
0x64: {  	_ =	shalt  }
0x65: {  	_ =	shalt  }
0x66: {  	_ =	shalt  }
0x67: {  	_ =	shalt  }
0x68: {  	_ =	shalt  }
0x69: {  	_ =	shalt  }
0x6a: {  	_ =	shalt  }
0x6b: {  	_ =	shalt  }
0x6c: {  	_ =	shalt  }
0x6d: {  	_ =	shalt  }
0x6e: {  	_ =	shalt  }
0x6f: {  	_ =	shalt  }
0x70: {  	_ =	shalt  }
0x71: {  	_ =	shalt  }
0x72: {  	_ =	shalt  }
0x73: {  	_ =	shalt  }
0x74: {  	_ =	shalt  }
0x75: {  	_ =	shalt  }
0x76: {  	_ =	shalt  }
0x77: {  	_ =	shalt  }
0x78: {  	_ =	shalt  }
0x79: {  	_ =	shalt  }
0x7a: {  	_ =	shalt  }
0x7b: {  	_ =	shalt  }
0x7c: {  	_ =	shalt  }
0x7d: {  	_ =	shalt  }
0x7e: {  	_ =	shalt  }
0x7f: {  	_ =	shalt  }
0x80: {  	_ =	shalt  }
0x81: {  	_ =	shalt  }
0x82: {  	_ =	shalt  }
0x83: {  	_ =	shalt  }
0x84: {  	_ =	shalt  }
0x85: {  	_ =	shalt  }
0x86: {  	_ =	shalt  }
0x87: {  	_ =	shalt  }
.Lfunc_end0:
.L_simem_size_0:
called_computation.2_lowered:
.L_overlay_start_0:
0x88: {  	s2 =	sld [smem:$0x3FD9]  }
0x89: {  	s3 =	sld [smem:$0x3FFE];
	_ =	sdelay $0x1  }
0x8a: {  	s1 =	srdreg.scid  }
0x8b: {  	s0 =	sand.u32 $0x1, s1  }
0x8c: {  	s17 =	sshll.u32 s0, $0xA;
	s2 =	sadd.s32 s3, s2  }
0x8d: {  	s2 =	sadd.s32 s2, s17  }
0x8e: {  	[smem:$0x3FC1] =	sst s2  }
0x8f: {  	_ = 	snop  }
0x90: {  	s2 =	sld [smem:$0x3FD0];
	(tm) =	ssettm $0x1  }
0x91: {  	s18 =	sld [smem:$0x3FFB];
	_ =	sdelay $0x3  }
0x92: {  	_ =	strace s18  }
0x93: {  	s3 =	sld [smem:$0x3FFC];
	_ =	sdelay $0x3  }
0x94: {  	_ =	strace s3  }
0x95: {  	s3 =	sld [smem:$0x3FFD];
	_ =	sdelay $0x3  }
0x96: {  	_ =	strace s3  }
0x97: {  	_ =	strace $0x8FFFFFFF  }
0x98: {  	s19 =	sld [smem:$0x3FDB];
	_ =	sdelay $0x1  }
0x99: {  	s4 =	simm.s32 $_scs_section_size  }
0x9a: {  	s5 =	simm.s32 $_size__tile_overlayer_lowered;
	s6 =	simm.s32 $_tile_overlayer_lowered  }
0x9b: {  	s22 =	simm.s32 $0x1BFF;
	s21 =	sshll.u32 s6, $0x1;
	s3 =	sadd.s32 s4, s19  }
0x9c: {  	s7 =	simm.s32 $0x0;
	s20 =	sshll.u32 s5, $0x1;
	s5 =	sadd.s32 s21, s3  }
0x9d: {  	[timem:s7], [sflag:s22] =	dma.local [hbm:s5], s20  }
0x9e: {  	_ =	swait.ge [sflag:s22], s20  }
0x9f: {  	s4 =	ssub.s32 $0x0, s20;
	[sflag:s22] =	ssyncset.done $0x0  }
0xa0: {  	[sflag:s22] =	ssyncadd.s32 s4;
	_ =	sdelay $0x1  }
0xa1: {  	s23 =	simm.s32 $0x1B8B  }
0xa2: {  	_ =	swait.ge [sflag:s23], $0x1  }
0xa3: {  	[sflag:s23] =	ssyncset.done $0x0  }
0xa4: {  	s25 =	simm.s32 $0x1B8E;
	s24 =	sld [smem:$0x3FFE];
	[sflag:s23] =	ssyncadd.s32 $0xFFFFFFFF  }
0xa5: {  	s26 =	simm.s32 $execute0_lowered;
	[smem:$0x3FD2] =	sst s25  }
0xa6: {  	s5 =	sshll.u32 s26, $0x1;
	_ =	strace $0x8000004C;
	[dreg:$0x1] =	wrdreg $0xFFFFFFFF  }
0xa7: {  	s28 =	simm.s32 $_size_execute0_lowered;
	s3 =	sadd.s32 s3, s5;
	[dreg:$0x0] =	wrdreg $0x0  }
0xa8: {  	s5 =	sshll.u32 s28, $0x1;
	[dreg:$0x2] =	wrdreg s3  }
0xa9: {  	[dreg:$0x3] =	wrdreg s5  }
0xaa: {  	[dreg:$0x4] =	wrdreg $0xC0  }
0xab: {  	_ =	task [dreg:s7], $0x5FFFF  }
0xac: {  	[dreg:$0x1] =	wrdreg $0xFFFFFFFF  }
0xad: {  	[dreg:$0x0] =	wrdreg $0x60  }
0xae: {  	[dreg:$0x2] =	wrdreg s24  }
0xaf: {  	[dreg:$0x3] =	wrdreg s2  }
0xb0: {  	[dreg:$0x4] =	wrdreg $0x41000  }
0xb1: {  	[dreg:$0x5] =	wrdreg $0x9  }
0xb2: {  	_ =	task.clear_ibuf [dreg:s7], $0x6FFFF;
	_ =	strace $0x9000004C  }
0xb3: {  	s29 =	simm.s32 $0x9;
	_ =	strace $0x8000004E  }
0xb4: {  	_ =	swait.ge [sflag:s29], $0x1  }
0xb5: {  	[sflag:s29] =	ssyncadd.s32 $0xFFFFFFFF  }
0xb6: {  	_ =	strace $0x9000004E  }
0xb7: {  	_ =	sfence  }
0xb8: {  	s30 =	sld [smem:$0x0];
	_ =	sdelay $0x2  }
0xb9: {  	s31 =	sshll.u32 s1, $0xD;
	s1 =	sshrl.u32 s1, $0x2  }
0xba: {  	s3 =	sand.u32 $0x4000, s31;
	s1 =	sadd.s32 s1, s30  }
0xbb: {  	s0 =	sor.u32 s3, s0;
	s1 =	sshll.u32 s1, $0x11  }
0xbc: {  	s0 =	sor.u32 s1, s0  }
0xbd: {  	s0 =	sadd.s32 $0x8F2B, s0  }
0xbe: {  	[sflag:s0] =	ssyncadd.remote.s32 $0x1  }
0xbf: {  	_ =	sfence.sel $0xFFFF  }
0xc0: {  	[dreg:$0x0] =	wrdreg $0xFFFFFFFF;
	(pc) =	sbr.abs _section_cstart, $3  }
0xc1: {  	[dreg:$0x1] =	wrdreg $0xFFFFFFFF  }
0xc2: {  	_ =	task.clear_ibuf [dreg:s7], $0x2FFFF;
	_ =	strace $0x9FFFFFFF  }
0xc3: {  	(tm) =	ssettm $0x7FFFFFFF  }
tec
execute0_lowered:
.L_overlay_start_1:
0x0: {  	(tag) =	ssettag $0x1  }
0x1: {  	s6 =	rddreg [dreg:$0x0]  }
0x2: {  	s18 =	rddreg [dreg:$0x1]  }
0x3: {  	s2 =	rddreg [dreg:$0x2]  }
0x4: {  	s0 =	rddreg [dreg:$0x3];
	s3 =	simm.s32 $0x0;
	s1 =	stileid.u32  }
0x5: {  	s5 =	srdreg.scid;
	s23 =	simm.s32 $0x0;
	s19 =	smul.u32 $0x9E0, s1  }
0x6: {  	[smem:$0x7FF] =	sst s3;
	s4 =	sadd.s32 $0x5D200, s6;
	s7 =	smul.u32 $0x50000, s1  }
0x7: {  	s13 =	sand.u32 $0x1, s5;
	s11 =	smul.u32 $0x14000, s1;
	s5 =	sadd.s32 $0xC200, s6  }
0x8: {  	s15 =	sadd.s32 $0x85200, s6;
	_ =	strace $0x8000004D;
	s21 =	smul.u32 $0x140000, s13  }
0x9: {  	s26 =	ssub.s32 $0x2, s13;
	s28 =	smul.u32 $0x4F0, s13;
	s16 =	sadd.s32 s19, s6  }
0xa: {  	s8 =	sshrl.u32 s26, $0x1;
	s7 =	sshrl.u32 s7, $0x2;
	s12 =	sadd.s32 $0x4000, s11  }
0xb: {  	s14 =	sadd.s32 $0x8000, s11;
	s20 =	sadd.s32 $0xC000, s11;
	s22 =	sadd.s32 $0x10000, s11  }
0xc: {  	s18 =	sadd.s32 s19, s18;
	s19 =	simm.s32 $0x100;
	s17 =	ssub.s32 s26, s8  }
0xd: {  	s6 =	sadd.s32 s7, s2;
	s7 =	sadd.s32 s12, s2;
	s8 =	sadd.s32 s14, s2  }
0xe: {  	s9 =	sadd.s32 s20, s2;
	s10 =	sadd.s32 s22, s2;
	s11 =	sadd.s32 s11, s21  }
0xf: {  	s12 =	sadd.s32 s21, s12;
	s14 =	sadd.s32 s21, s14;
	s20 =	sadd.s32 s21, s20  }
0x10: {  	s21 =	sadd.s32 s21, s22;
	s31 =	sadd.s32 s28, s16;
	s18 =	sadd.s32 s28, s18  }
0x11: {  	s22 =	simm.s32 $0x1;
	s11 =	sshrl.u32 s11, $0x3;
	s12 =	sshrl.u32 s12, $0x3  }
0x12: {  	s14 =	sshrl.u32 s14, $0x3;
	s29 =	sshrl.u32 s20, $0x3;
	s30 =	sshrl.u32 s21, $0x3  }
0x13: {  	s16 =	smax.u32 s17, $0x1;
	s17 =	sadd.s32 $0x2400, s31;
	s20 =	simm.s32 $0x2  }
0x14: {  	s21 =	simm.s32 $0x80;
	s11 =	sadd.s32 s15, s11;
	s12 =	sadd.s32 s15, s12  }
0x15: {  	s13 =	sadd.s32 s15, s14;
	s14 =	sadd.s32 s15, s29;
	s15 =	sadd.s32 s15, s30  }
.LBB2_1:
0x16: {  	[tilespmem:s19], [sflag:$0x2] =	stream.linear.gather [hbm4b:s5+s3], $0x4000, $0x38;
	[tilespmem:$0x18100] =	vst v63  }
0x17: {  	_ =	swait.ge [sflag:s20], $0x4000  }
0x18: {  	[sflag:s20] =	ssyncset.done $0x0  }
0x19: {  	[sflag:s20] =	ssyncadd.s32 $0xFFFFC000  }
0x1a: {  	[spmem:s6] =	stream.linear.scatter [tilespmem:s19], [sflag:$0x2], $0x4000, $0x38;
	[tilespmem:$0x18100] =	vst v63  }
0x1b: {  	_ =	swait.ge [sflag:s20], $0x4000  }
0x1c: {  	[sflag:s20] =	ssyncset.done $0x0  }
0x1d: {  	[sflag:s20] =	ssyncadd.s32 $0xFFFFC000  }
0x1e: {  	[spmem:s7] =	stream.linear.scatter [tilespmem:s19], [sflag:$0x2], $0x4000, $0x38;
	[tilespmem:$0x18100] =	vst v63  }
0x1f: {  	_ =	swait.ge [sflag:s20], $0x4000  }
0x20: {  	[sflag:s20] =	ssyncset.done $0x0  }
0x21: {  	[sflag:s20] =	ssyncadd.s32 $0xFFFFC000  }
0x22: {  	[spmem:s8] =	stream.linear.scatter [tilespmem:s19], [sflag:$0x2], $0x4000, $0x38;
	[tilespmem:$0x18100] =	vst v63  }
0x23: {  	_ =	swait.ge [sflag:s20], $0x4000  }
0x24: {  	[sflag:s20] =	ssyncset.done $0x0  }
0x25: {  	[sflag:s20] =	ssyncadd.s32 $0xFFFFC000  }
0x26: {  	[spmem:s9] =	stream.linear.scatter [tilespmem:s19], [sflag:$0x2], $0x4000, $0x38;
	[tilespmem:$0x18100] =	vst v63  }
0x27: {  	_ =	swait.ge [sflag:s20], $0x4000  }
0x28: {  	[sflag:s20] =	ssyncset.done $0x0  }
0x29: {  	[sflag:s20] =	ssyncadd.s32 $0xFFFFC000  }
0x2a: {  	[spmem:s10] =	stream.linear.scatter [tilespmem:s19], [sflag:$0x2], $0x4000, $0x38;
	[tilespmem:$0x18100] =	vst v63  }
0x2b: {  	_ =	swait.ge [sflag:s20], $0x4000  }
0x2c: {  	[sflag:s20] =	ssyncset.done $0x0  }
0x2d: {  	[sflag:s20] =	ssyncadd.s32 $0xFFFFC000  }
0x2e: {  	s24 =	sadd.s32 $0x0, s18;
	[bflag:$0x0] =	sbarrier.arrive $0xFFFF  }
0x2f: {  	[tilespmem:s3], [sflag:$0x2] =	stream.linear.gather [hbm4b:s24+s3], $0x80, $0x38;
	[tilespmem:$0x18100] =	vst v63  }
0x30: {  	_ =	swait.ge [sflag:s20], $0x80  }
0x31: {  	[sflag:s20] =	ssyncset.done $0x0  }
0x32: {  	s31 =	sadd.s32 $0x0, s17;
	[sflag:s20] =	ssyncadd.s32 $0xFFFFFF80  }
0x33: {  	[tilespmem:s21], [sflag:$0x2] =	stream.linear.gather [hbm4b:s31+s3], $0x80, $0x38;
	[tilespmem:$0x18100] =	vst v63  }
0x34: {  	_ =	swait.ge [sflag:s20], $0x80  }
0x35: {  	[sflag:s20] =	ssyncset.done $0x0  }
0x36: {  	[sflag:s20] =	ssyncadd.s32 $0xFFFFFF80  }
0x37: {  	[tilespmem:s19], [sflag:$0x1] =	stream.indirect.gather [hbm4b:s4+s21], $0x80, s3, s21, $0xb8;
	[tilespmem:$0x18100] =	vst v63  }
0x38: {  	_ =	swait.ge [sflag:s22], $0x4000  }
0x39: {  	[sflag:s22] =	ssyncset.done $0x0  }
0x3a: {  	[sflag:s22] =	ssyncadd.s32 $0xFFFFC000  }
0x3b: {  	[spmem:s2] =	stream.indirect.scatter.add.f32 [tilespmem:s19], [sflag:$0x2], $0x80, s21, s21, $0xb8;
	[tilespmem:$0x18100] =	vst v63  }
0x3c: {  	_ =	swait.ge [sflag:s20], $0x4000  }
0x3d: {  	s25 =	simm.s32 $0x20;
	s24 =	simm.s32 $0x10;
	[sflag:s20] =	ssyncset.done $0x0  }
.LBB2_2:
0x3e: {  	s26 =	sadd.s32 s24, s18  }
0x3f: {  	[sflag:s20] =	ssyncadd.s32 $0xFFFFC000;
	s28 =	smov.u32 s25;
	s29 =	sadd.s32 $0x10, s25  }
0x40: {  	[tilespmem:s3], [sflag:$0x2] =	stream.linear.gather [hbm4b:s26+s3], $0x80, $0x38;
	[tilespmem:$0x18100] =	vst v63  }
0x41: {  	p0 =	sne.s32 s25, $0x4E0;
	_ =	swait.ge [sflag:s20], $0x80  }
0x42: {  	[sflag:s20] =	ssyncset.done $0x0  }
0x43: {  	s25 =	sadd.s32 s24, s17;
	s24 =	smov.u32 s28;
	[sflag:s20] =	ssyncadd.s32 $0xFFFFFF80  }
0x44: {  	[tilespmem:s21], [sflag:$0x2] =	stream.linear.gather [hbm4b:s25+s3], $0x80, $0x38;
	[tilespmem:$0x18100] =	vst v63  }
0x45: {  	_ =	swait.ge [sflag:s20], $0x80  }
0x46: {  	[sflag:s20] =	ssyncset.done $0x0  }
0x47: {  	[sflag:s20] =	ssyncadd.s32 $0xFFFFFF80  }
0x48: {  	[tilespmem:s19], [sflag:$0x1] =	stream.indirect.gather [hbm4b:s4+s21], $0x80, s3, s21, $0xb8;
	[tilespmem:$0x18100] =	vst v63  }
0x49: {  	_ =	swait.ge [sflag:s22], $0x4000  }
.Ltmp0:
0x4a: {  	[sflag:s22] =	ssyncset.done $0x0;
	(pc) =	sbr.rel @p0 .LBB2_2-.Ltmp0, $4  }
0x4b: {  	[sflag:s22] =	ssyncadd.s32 $0xFFFFC000  }
0x4c: {  	[spmem:s2] =	stream.indirect.scatter.add.f32 [tilespmem:s19], [sflag:$0x2], $0x80, s21, s21, $0xb8;
	[tilespmem:$0x18100] =	vst v63  }
0x4d: {  	_ =	swait.ge [sflag:s20], $0x4000  }
0x4e: {  	s25 =	smov.u32 s29;
	[sflag:s20] =	ssyncset.done $0x0  }
0x4f: {  	s25 =	sadd.s32 s24, s18;
	[sflag:s20] =	ssyncadd.s32 $0xFFFFC000  }
0x50: {  	[tilespmem:s3], [sflag:$0x2] =	stream.linear.gather [hbm4b:s25+s3], $0x80, $0x38;
	[tilespmem:$0x18100] =	vst v63  }
0x51: {  	_ =	swait.ge [sflag:s20], $0x80  }
0x52: {  	[sflag:s20] =	ssyncset.done $0x0  }
0x53: {  	s31 =	sadd.s32 s24, s17;
	[sflag:s20] =	ssyncadd.s32 $0xFFFFFF80  }
0x54: {  	[tilespmem:s21], [sflag:$0x2] =	stream.linear.gather [hbm4b:s31+s3], $0x80, $0x38;
	[tilespmem:$0x18100] =	vst v63  }
0x55: {  	_ =	swait.ge [sflag:s20], $0x80  }
0x56: {  	[sflag:s20] =	ssyncset.done $0x0  }
0x57: {  	[sflag:s20] =	ssyncadd.s32 $0xFFFFFF80  }
0x58: {  	[tilespmem:s19], [sflag:$0x1] =	stream.indirect.gather [hbm4b:s4+s21], $0x80, s3, s21, $0xb8;
	[tilespmem:$0x18100] =	vst v63  }
0x59: {  	_ =	swait.ge [sflag:s22], $0x4000  }
0x5a: {  	[sflag:s22] =	ssyncset.done $0x0  }
0x5b: {  	[sflag:s22] =	ssyncadd.s32 $0xFFFFC000  }
0x5c: {  	[spmem:s2] =	stream.indirect.scatter.add.f32 [tilespmem:s19], [sflag:$0x2], $0x80, s21, s21, $0xb8;
	[tilespmem:$0x18100] =	vst v63  }
0x5d: {  	_ =	swait.ge [sflag:s20], $0x4000  }
0x5e: {  	[sflag:s20] =	ssyncset.done $0x0  }
0x5f: {  	[sflag:s20] =	ssyncadd.s32 $0xFFFFC000  }
0x60: {  	[bflag:$0x0] =	sbarrier.arrive $0xFFFF  }
0x61: {  	[tilespmem:s19], [sflag:$0x2] =	stream.linear.gather [spmem:s6], $0x4000, $0x38;
	[tilespmem:$0x18100] =	vst v63  }
0x62: {  	_ =	swait.ge [sflag:s20], $0x4000  }
0x63: {  	[sflag:s20] =	ssyncset.done $0x0  }
0x64: {  	[sflag:s20] =	ssyncadd.s32 $0xFFFFC000  }
0x65: {  	[hbm4b:s11+s3] =	stream.linear.scatter [tilespmem:s19], [sflag:$0x2], $0x4000, $0x38;
	[tilespmem:$0x18100] =	vst v63  }
0x66: {  	_ =	swait.ge [sflag:s20], $0x4000  }
0x67: {  	[sflag:s20] =	ssyncset.done $0x0  }
0x68: {  	[sflag:s20] =	ssyncadd.s32 $0xFFFFC000  }
0x69: {  	[tilespmem:s19], [sflag:$0x2] =	stream.linear.gather [spmem:s7], $0x4000, $0x38;
	[tilespmem:$0x18100] =	vst v63  }
0x6a: {  	_ =	swait.ge [sflag:s20], $0x4000  }
0x6b: {  	[sflag:s20] =	ssyncset.done $0x0  }
0x6c: {  	[sflag:s20] =	ssyncadd.s32 $0xFFFFC000  }
0x6d: {  	[hbm4b:s12+s3] =	stream.linear.scatter [tilespmem:s19], [sflag:$0x2], $0x4000, $0x38;
	[tilespmem:$0x18100] =	vst v63  }
0x6e: {  	_ =	swait.ge [sflag:s20], $0x4000  }
0x6f: {  	[sflag:s20] =	ssyncset.done $0x0  }
0x70: {  	[sflag:s20] =	ssyncadd.s32 $0xFFFFC000  }
0x71: {  	[tilespmem:s19], [sflag:$0x2] =	stream.linear.gather [spmem:s8], $0x4000, $0x38;
	[tilespmem:$0x18100] =	vst v63  }
0x72: {  	_ =	swait.ge [sflag:s20], $0x4000  }
0x73: {  	[sflag:s20] =	ssyncset.done $0x0  }
0x74: {  	[sflag:s20] =	ssyncadd.s32 $0xFFFFC000  }
0x75: {  	[hbm4b:s13+s3] =	stream.linear.scatter [tilespmem:s19], [sflag:$0x2], $0x4000, $0x38;
	[tilespmem:$0x18100] =	vst v63  }
0x76: {  	_ =	swait.ge [sflag:s20], $0x4000  }
0x77: {  	[sflag:s20] =	ssyncset.done $0x0  }
0x78: {  	[sflag:s20] =	ssyncadd.s32 $0xFFFFC000  }
0x79: {  	[tilespmem:s19], [sflag:$0x2] =	stream.linear.gather [spmem:s9], $0x4000, $0x38;
	[tilespmem:$0x18100] =	vst v63  }
0x7a: {  	_ =	swait.ge [sflag:s20], $0x4000  }
0x7b: {  	[sflag:s20] =	ssyncset.done $0x0  }
0x7c: {  	[sflag:s20] =	ssyncadd.s32 $0xFFFFC000  }
0x7d: {  	[hbm4b:s14+s3] =	stream.linear.scatter [tilespmem:s19], [sflag:$0x2], $0x4000, $0x38;
	[tilespmem:$0x18100] =	vst v63  }
0x7e: {  	_ =	swait.ge [sflag:s20], $0x4000  }
0x7f: {  	[sflag:s20] =	ssyncset.done $0x0  }
0x80: {  	[sflag:s20] =	ssyncadd.s32 $0xFFFFC000  }
0x81: {  	[tilespmem:s19], [sflag:$0x2] =	stream.linear.gather [spmem:s10], $0x4000, $0x38;
	[tilespmem:$0x18100] =	vst v63  }
0x82: {  	s23 =	sadd.s32 $0x1, s23;
	_ =	swait.ge [sflag:s20], $0x4000  }
0x83: {  	p0 =	sne.s32 s23, s16;
	[sflag:s20] =	ssyncset.done $0x0  }
.Ltmp1:
0x84: {  	[sflag:s20] =	ssyncadd.s32 $0xFFFFC000;
	(pc) =	sbr.rel @p0 .LBB2_1-.Ltmp1, $4  }
0x85: {  	[hbm4b:s15+s3] =	stream.linear.scatter [tilespmem:s19], [sflag:$0x2], $0x4000, $0x38;
	[tilespmem:$0x18100] =	vst v63  }
0x86: {  	_ =	swait.ge [sflag:s20], $0x4000  }
0x87: {  	[sflag:s20] =	ssyncset.done $0x0  }
0x88: {  	[sflag:s20] =	ssyncadd.s32 $0xFFFFC000  }
0x89: {  	_ =	sfence.sel $0x180000  }
0x8a: {  	[bflag:$0x0] =	sbarrier.arrive $0xFFFF  }
0x8b: {  	p0 =	sne.s32 s1, $0x0;
	_ =	strace $0x9000004D  }
0x8c: {  	s0 =	sadd.s32 @!p0 $0x100000, s0;
	[bflag:$0x2] =	sbarrier.arrive $0xFFFF  }
0x8d: {  	[sflag:s0] =	ssyncadd.tile.s32 @!p0 $0x1;
	_ =	shalt  }
.Lfunc_end2:
_tile_overlayer_lowered:
.L_overlay_start_2:
0x8e: {  	(tag) =	ssettag $0x2  }
0x8f: {  	s0 =	rddreg [dreg:$0x0];
	s2 =	stileid.u32  }
0x90: {  	s1 =	rddreg [dreg:$0x1];
	p0 =	sne.s32 s2, $0x0  }
0x91: {  	s3 =	rddreg [dreg:$0x2];
	[bflag:$0x3] =	sbarrier.arrive $0xFFFF;
	s2 =	simm.s32 @!p0 $0x1C02  }
0x92: {  	[timem:s3], [sflag:s2] =	dma.local @!p0 [hbm:s0], s1  }
0x93: {  	s0 =	simm.s32 @!p0 $0x2  }
0x94: {  	_ =	swait.ge @!p0 [sflag:s0], s1  }
0x95: {  	s1 =	ssub.s32 @!p0 $0x0, s1;
	[sflag:s0] =	ssyncset.done @!p0 $0x0  }
0x96: {  	[sflag:s0] =	ssyncadd.s32 @!p0 s1  }
0x97: {  	[bflag:$0x3] =	sbarrier.arrive $0xFFFF  }
0x98: {  	_ =	shalt  }

// kernel: kernel.8.cloned.1.call-start
scs
__scs_entry_jumppad:
0x0: {  	(pc) =	sbr.rel $0x88, $3  }
0x1: {  	(tag) =	ssettag $0x0;
	lr =	simm.s32 $0x1  }
0x2: {  	[smem:$0x3F9A] =	sst lr;
	_ =	strace $0xD0000000  }
0x3: {  	_ = 	snop  }
0x4: {  	_ = 	snop  }
0x5: {  	_ = 	snop  }
0x6: {  	_ = 	snop  }
0x7: {  	_ = 	snop  }
__scs_overlays_trampoline_lowered:
0x8: {  	[smem:$0x3FA9] =	sst s0  }
0x9: {  	[smem:$0x3FAA] =	sst s1  }
0xa: {  	[smem:$0x3FAB] =	sst s2  }
0xb: {  	[smem:$0x3FAC] =	sst s3  }
0xc: {  	[smem:$0x3FAD] =	sst s4  }
0xd: {  	[smem:$0x3FAE] =	sst s5  }
0xe: {  	[smem:$0x3FAF] =	sst s6  }
0xf: {  	[smem:$0x3FB0] =	sst s7  }
0x10: {  	[smem:$0x3FB1] =	sst s8  }
0x11: {  	[smem:$0x3FB2] =	sst s9;
	s0 =	simm.s32 @!p0 $0x0  }
0x12: {  	s1 =	sld [smem:$0x3F98];
	s0 =	simm.s32 @p0 $0x1  }
0x13: {  	[smem:$0x3FB3] =	sst s0;
	s0 =	simm.s32 @!p1 $0x0  }
0x14: {  	s2 =	sld [smem:$0x3F97];
	s0 =	simm.s32 @p1 $0x1  }
0x15: {  	[smem:$0x3FB4] =	sst s0;
	s0 =	simm.s32 @!p2 $0x0  }
0x16: {  	s3 =	sld [smem:$0x3FDB];
	s0 =	simm.s32 @p2 $0x1  }
0x17: {  	s4 =	simm.s32 $0x1BF5;
	[smem:$0x3FB6] =	sst s0  }
0x18: {  	s0 =	sld [smem:$0x3F99];
	_ =	swait.ge [sflag:s4], $0x0  }
0x19: {  	s7 =	sld [smem:$0x3F9A]  }
0x1a: {  	s8 =	sadd.s32 $0xFFFFE003, lr  }
0x1b: {  	s9 =	sadd.s32 $0xFFFFFEF7, lr;
	s5 =	simm.s32 $0xFFFFFFFF;
	p2 =	slt.u32 s8, $0xFFFFF086  }
0x1c: {  	p1 =	slt.u32 s9, $0xF7A;
	s5 =	simm.s32 @!p2 $0x0  }
0x1d: {  	s5 =	simm.s32 @p1 $0x1;
	p0 =	seq.s32 s7, s2  }
0x1e: {  	s7 =	smul.u32 @!p0 $0xF7A, s2;
	p2 =	seq.s32 @!p0 s5, $0x0  }
0x1f: {  	s9 =	smul.u32 $0xF7A, s1;
	s8 =	simm.s32 @!p0 $0x1BF5;
	p2 =	por !p2, p0  }
0x20: {  	[sflag:s8] =	ssyncset.s32 @!p0 $0xFFFFF086;
	s6 =	sadd.s32 @!p0 s3, s7;
	s7 =	simm.s32 @!p0 $0x108  }
0x21: {  	s3 =	sadd.s32 s3, s9;
	s6 =	sadd.s32 @!p0 $0x88, s6;
	s7 =	simm.s32 @p2 $0x1082  }
0x22: {  	[simem:s7], [sflag:s8] =	dma.local @!p0 [hbm:s6], $0xF7A  }
0x23: {  	s9 =	sor.u32 $0xD0000000, s2;
	s6 =	simm.s32 $0x108;
	_ =	swait.ge @!p0 [sflag:s8], $0x0  }
0x24: {  	s3 =	sadd.s32 $0x88, s3;
	s6 =	simm.s32 @!p1 $0x1082;
	[sflag:s4] =	ssyncset.s32 $0xFFFFF086  }
0x25: {  	[simem:s6], [sflag:s4] =	dma.local [hbm:s3], $0xF7A  }
0x26: {  	[smem:$0x3F9A] =	sst s1;
	(tag) =	ssettag s2;
	_ =	strace s9  }
0x27: {  	s1 =	sld [smem:$0x3FAA]  }
0x28: {  	s2 =	sld [smem:$0x3FAB]  }
0x29: {  	s4 =	sld [smem:$0x3FAD]  }
0x2a: {  	p0 =	seq.s32 s5, $0x0;
	s5 =	sld [smem:$0x3FAE]  }
0x2b: {  	s6 =	sld [smem:$0x3FAF]  }
0x2c: {  	s7 =	sld [smem:$0x3FB0]  }
0x2d: {  	s3 =	simm.s32 $0x108;
	s8 =	sld [smem:$0x3FB1]  }
0x2e: {  	s3 =	simm.s32 @!p0 $0x1082;
	s9 =	sld [smem:$0x3FB2]  }
0x2f: {  	lr =	sadd.s32 s0, s3;
	s0 =	sld [smem:$0x3FA9]  }
0x30: {  	s3 =	sld [smem:$0x3FAC]  }
0x31: {  	[smem:$0x3FB5] =	sst s10  }
0x32: {  	s10 =	sld [smem:$0x3FB3];
	_ =	sdelay $0x3  }
0x33: {  	p0 =	seq.s32 s10, $0x1;
	s10 =	sld [smem:$0x3FB5];
	_ =	sdelay $0x3  }
0x34: {  	[smem:$0x3FB5] =	sst s10  }
0x35: {  	s10 =	sld [smem:$0x3FB4];
	_ =	sdelay $0x3  }
0x36: {  	p1 =	seq.s32 s10, $0x1;
	s10 =	sld [smem:$0x3FB5];
	_ =	sdelay $0x3  }
0x37: {  	[smem:$0x3FB5] =	sst s10  }
0x38: {  	s10 =	sld [smem:$0x3FB6]  }
0x39: {  	_ = 	snop;
	(pc) =	sbr.ind lr, $3  }
0x3a: {  	_ = 	snop  }
0x3b: {  	_ = 	snop  }
0x3c: {  	p2 =	seq.s32 s10, $0x1;
	s10 =	sld [smem:$0x3FB5]  }
0x3d: {  	_ =	shalt  }
0x3e: {  	_ =	shalt  }
0x3f: {  	_ =	shalt  }
0x40: {  	_ =	shalt  }
0x41: {  	_ =	shalt  }
0x42: {  	_ =	shalt  }
0x43: {  	_ =	shalt  }
0x44: {  	_ =	shalt  }
0x45: {  	_ =	shalt  }
0x46: {  	_ =	shalt  }
0x47: {  	_ =	shalt  }
0x48: {  	_ =	shalt  }
0x49: {  	_ =	shalt  }
0x4a: {  	_ =	shalt  }
0x4b: {  	_ =	shalt  }
0x4c: {  	_ =	shalt  }
0x4d: {  	_ =	shalt  }
0x4e: {  	_ =	shalt  }
0x4f: {  	_ =	shalt  }
0x50: {  	_ =	shalt  }
0x51: {  	_ =	shalt  }
0x52: {  	_ =	shalt  }
0x53: {  	_ =	shalt  }
0x54: {  	_ =	shalt  }
0x55: {  	_ =	shalt  }
0x56: {  	_ =	shalt  }
0x57: {  	_ =	shalt  }
0x58: {  	_ =	shalt  }
0x59: {  	_ =	shalt  }
0x5a: {  	_ =	shalt  }
0x5b: {  	_ =	shalt  }
0x5c: {  	_ =	shalt  }
0x5d: {  	_ =	shalt  }
0x5e: {  	_ =	shalt  }
0x5f: {  	_ =	shalt  }
0x60: {  	_ =	shalt  }
0x61: {  	_ =	shalt  }
0x62: {  	_ =	shalt  }
0x63: {  	_ =	shalt  }
0x64: {  	_ =	shalt  }
0x65: {  	_ =	shalt  }
0x66: {  	_ =	shalt  }
0x67: {  	_ =	shalt  }
0x68: {  	_ =	shalt  }
0x69: {  	_ =	shalt  }
0x6a: {  	_ =	shalt  }
0x6b: {  	_ =	shalt  }
0x6c: {  	_ =	shalt  }
0x6d: {  	_ =	shalt  }
0x6e: {  	_ =	shalt  }
0x6f: {  	_ =	shalt  }
0x70: {  	_ =	shalt  }
0x71: {  	_ =	shalt  }
0x72: {  	_ =	shalt  }
0x73: {  	_ =	shalt  }
0x74: {  	_ =	shalt  }
0x75: {  	_ =	shalt  }
0x76: {  	_ =	shalt  }
0x77: {  	_ =	shalt  }
0x78: {  	_ =	shalt  }
0x79: {  	_ =	shalt  }
0x7a: {  	_ =	shalt  }
0x7b: {  	_ =	shalt  }
0x7c: {  	_ =	shalt  }
0x7d: {  	_ =	shalt  }
0x7e: {  	_ =	shalt  }
0x7f: {  	_ =	shalt  }
0x80: {  	_ =	shalt  }
0x81: {  	_ =	shalt  }
0x82: {  	_ =	shalt  }
0x83: {  	_ =	shalt  }
0x84: {  	_ =	shalt  }
0x85: {  	_ =	shalt  }
0x86: {  	_ =	shalt  }
0x87: {  	_ =	shalt  }
.Lfunc_end0:
.L_simem_size_0:
called_computation_lowered:
.L_overlay_start_0:
0x88: {  	s2 =	sld [smem:$0x3FD9]  }
0x89: {  	s3 =	sld [smem:$0x3FFE];
	_ =	sdelay $0x1  }
0x8a: {  	s1 =	srdreg.scid  }
0x8b: {  	s0 =	sand.u32 $0x1, s1  }
0x8c: {  	s17 =	sshll.u32 s0, $0xA;
	s2 =	sadd.s32 s3, s2  }
0x8d: {  	s2 =	sadd.s32 s2, s17  }
0x8e: {  	[smem:$0x3FC1] =	sst s2  }
0x8f: {  	_ = 	snop  }
0x90: {  	s2 =	sld [smem:$0x3FD0];
	(tm) =	ssettm $0x1  }
0x91: {  	s18 =	sld [smem:$0x3FFB];
	_ =	sdelay $0x3  }
0x92: {  	_ =	strace s18  }
0x93: {  	s3 =	sld [smem:$0x3FFC];
	_ =	sdelay $0x3  }
0x94: {  	_ =	strace s3  }
0x95: {  	s3 =	sld [smem:$0x3FFD];
	_ =	sdelay $0x3  }
0x96: {  	_ =	strace s3  }
0x97: {  	_ =	strace $0x8FFFFFFF  }
0x98: {  	s19 =	sld [smem:$0x3FDB];
	_ =	sdelay $0x1  }
0x99: {  	s4 =	simm.s32 $_scs_section_size  }
0x9a: {  	s5 =	simm.s32 $_size__tile_overlayer_lowered;
	s6 =	simm.s32 $_tile_overlayer_lowered  }
0x9b: {  	s22 =	simm.s32 $0x1BFF;
	s21 =	sshll.u32 s6, $0x1;
	s3 =	sadd.s32 s4, s19  }
0x9c: {  	s7 =	simm.s32 $0x0;
	s20 =	sshll.u32 s5, $0x1;
	s5 =	sadd.s32 s21, s3  }
0x9d: {  	[timem:s7], [sflag:s22] =	dma.local [hbm:s5], s20  }
0x9e: {  	_ =	swait.ge [sflag:s22], s20  }
0x9f: {  	s4 =	ssub.s32 $0x0, s20;
	[sflag:s22] =	ssyncset.done $0x0  }
0xa0: {  	[sflag:s22] =	ssyncadd.s32 s4;
	_ =	sdelay $0x1  }
0xa1: {  	s23 =	simm.s32 $0x1B8B  }
0xa2: {  	_ =	swait.ge [sflag:s23], $0x1  }
0xa3: {  	[sflag:s23] =	ssyncset.done $0x0  }
0xa4: {  	s25 =	simm.s32 $0x1B8E;
	s24 =	sld [smem:$0x3FFE];
	[sflag:s23] =	ssyncadd.s32 $0xFFFFFFFF  }
0xa5: {  	s26 =	simm.s32 $execute0_lowered;
	[smem:$0x3FD2] =	sst s25  }
0xa6: {  	s5 =	sshll.u32 s26, $0x1;
	_ =	strace $0x80000046;
	[dreg:$0x1] =	wrdreg $0xFFFFFFFF  }
0xa7: {  	s28 =	simm.s32 $_size_execute0_lowered;
	s3 =	sadd.s32 s3, s5;
	[dreg:$0x0] =	wrdreg $0x0  }
0xa8: {  	s5 =	sshll.u32 s28, $0x1;
	[dreg:$0x2] =	wrdreg s3  }
0xa9: {  	[dreg:$0x3] =	wrdreg s5  }
0xaa: {  	[dreg:$0x4] =	wrdreg $0xC0  }
0xab: {  	_ =	task [dreg:s7], $0x5FFFF  }
0xac: {  	[dreg:$0x1] =	wrdreg $0xFFFFFFFF  }
0xad: {  	[dreg:$0x0] =	wrdreg $0x60  }
0xae: {  	[dreg:$0x2] =	wrdreg s2  }
0xaf: {  	[dreg:$0x3] =	wrdreg s24  }
0xb0: {  	[dreg:$0x4] =	wrdreg $0x80800  }
0xb1: {  	[dreg:$0x5] =	wrdreg $0x9  }
0xb2: {  	_ =	task.clear_ibuf [dreg:s7], $0x6FFFF;
	_ =	strace $0x90000046  }
0xb3: {  	s29 =	simm.s32 $0x9;
	_ =	strace $0x80000048  }
0xb4: {  	_ =	swait.ge [sflag:s29], $0x1  }
0xb5: {  	[sflag:s29] =	ssyncadd.s32 $0xFFFFFFFF  }
0xb6: {  	_ =	strace $0x90000048  }
0xb7: {  	_ =	sfence  }
0xb8: {  	s30 =	sld [smem:$0x0];
	_ =	sdelay $0x2  }
0xb9: {  	s31 =	sshll.u32 s1, $0xD;
	s1 =	sshrl.u32 s1, $0x2  }
0xba: {  	s3 =	sand.u32 $0x4000, s31;
	s1 =	sadd.s32 s1, s30  }
0xbb: {  	s0 =	sor.u32 s3, s0;
	s1 =	sshll.u32 s1, $0x11  }
0xbc: {  	s0 =	sor.u32 s1, s0  }
0xbd: {  	s0 =	sadd.s32 $0x8F2B, s0  }
0xbe: {  	[sflag:s0] =	ssyncadd.remote.s32 $0x1  }
0xbf: {  	_ =	sfence.sel $0xFFFF  }
0xc0: {  	[dreg:$0x0] =	wrdreg $0xFFFFFFFF;
	(pc) =	sbr.abs _section_cstart, $3  }
0xc1: {  	[dreg:$0x1] =	wrdreg $0xFFFFFFFF  }
0xc2: {  	_ =	task.clear_ibuf [dreg:s7], $0x2FFFF;
	_ =	strace $0x9FFFFFFF  }
0xc3: {  	(tm) =	ssettm $0x7FFFFFFF  }
tec
execute0_lowered:
.L_overlay_start_1:
0x0: {  	(tag) =	ssettag $0x1  }
0x1: {  	s17 =	rddreg [dreg:$0x0]  }
0x2: {  	s6 =	rddreg [dreg:$0x1]  }
0x3: {  	s2 =	rddreg [dreg:$0x2]  }
0x4: {  	s0 =	rddreg [dreg:$0x3];
	s1 =	stileid.u32  }
0x5: {  	s3 =	simm.s32 $0x0;
	s5 =	srdreg.scid;
	s18 =	smul.u32 $0x9E0, s1  }
0x6: {  	[smem:$0x7FF] =	sst s3;
	s7 =	smul.u32 $0x50000, s1  }
0x7: {  	s4 =	sadd.s32 $0xCA00, s6;
	s11 =	sand.u32 $0x1, s5;
	s12 =	smul.u32 $0x14000, s1  }
0x8: {  	s5 =	sadd.s32 $0xC200, s6;
	s15 =	sadd.s32 $0xD200, s6;
	_ =	strace $0x80000047  }
0x9: {  	s25 =	ssub.s32 $0x2, s11;
	s21 =	smul.u32 $0x140000, s11;
	p0 =	seq.s32 s11, $0x1  }
0xa: {  	s19 =	sadd.s32 s18, s6;
	s8 =	sshrl.u32 s25, $0x1;
	s7 =	sshrl.u32 s7, $0x2  }
0xb: {  	s13 =	sadd.s32 $0x4000, s12;
	s14 =	sadd.s32 $0x8000, s12;
	s20 =	sadd.s32 $0xC000, s12  }
0xc: {  	s22 =	sadd.s32 $0x10000, s12;
	s17 =	sadd.s32 s18, s17;
	s16 =	ssub.s32 s25, s8  }
0xd: {  	s6 =	sadd.s32 s7, s2;
	s7 =	sadd.s32 s13, s2;
	s8 =	sadd.s32 s14, s2  }
0xe: {  	s9 =	sadd.s32 s20, s2;
	s10 =	sadd.s32 s22, s2;
	s12 =	sadd.s32 s12, s21  }
0xf: {  	s13 =	sadd.s32 s21, s13;
	s29 =	sadd.s32 s21, s14;
	s30 =	sadd.s32 s21, s20  }
0x10: {  	s31 =	sadd.s32 s21, s22;
	s18 =	sadd.s32 $0x2400, s19;
	s19 =	simm.s32 $0x80  }
.Ltmp0:
0x11: {  	s21 =	simm.s32 $0x4080;
	s22 =	simm.s32 $0x0;
	(pc) =	sbr.rel .LBB2_1-.Ltmp0, $4  }
0x12: {  	s26 =	sshrl.u32 s12, $0x3;
	s28 =	sshrl.u32 s13, $0x3;
	s13 =	sshrl.u32 s29, $0x3  }
0x13: {  	s14 =	sshrl.u32 s30, $0x3;
	s20 =	sshrl.u32 s31, $0x3;
	s16 =	smax.u32 s16, $0x1  }
0x14: {  	s11 =	sadd.s32 s15, s26;
	s12 =	sadd.s32 s15, s28;
	s13 =	sadd.s32 s15, s13  }
0x15: {  	s14 =	sadd.s32 s15, s14;
	s15 =	sadd.s32 s15, s20;
	s20 =	simm.s32 $0x1  }
.LBB2_7:
0x16: {  	s23 =	sadd.s32 s23, s18;
	[sflag:s20] =	ssyncadd.s32 $0xFFFFC000  }
0x17: {  	[tilespmem:s3], [sflag:$0x1] =	stream.linear.gather [hbm4b:s23+s3], $0x80, $0x38;
	[tilespmem:$0x1C080] =	vst v63  }
0x18: {  	_ =	swait.ge [sflag:s20], $0x80  }
0x19: {  	[sflag:s20] =	ssyncset.done $0x0  }
0x1a: {  	[sflag:s20] =	ssyncadd.s32 $0xFFFFFF80  }
0x1b: {  	[spmem:s2] =	stream.indirect.scatter.add.f32 [tilespmem:s19], [sflag:$0x1], $0x80, s3, s19, $0xb8;
	[tilespmem:$0x1C080] =	vst v63  }
0x1c: {  	_ =	swait.ge [sflag:s20], $0x4000  }
0x1d: {  	[sflag:s20] =	ssyncset.done $0x0  }
0x1e: {  	[sflag:s20] =	ssyncadd.s32 $0xFFFFC000  }
.LBB2_8:
0x1f: {  	[bflag:$0x0] =	sbarrier.arrive $0xFFFF  }
0x20: {  	[tilespmem:s21], [sflag:$0x1] =	stream.linear.gather [spmem:s6], $0x4000, $0x38;
	[tilespmem:$0x1C080] =	vst v63  }
0x21: {  	_ =	swait.ge [sflag:s20], $0x4000  }
0x22: {  	[sflag:s20] =	ssyncset.done $0x0  }
0x23: {  	[sflag:s20] =	ssyncadd.s32 $0xFFFFC000  }
0x24: {  	[hbm4b:s11+s3] =	stream.linear.scatter [tilespmem:s21], [sflag:$0x1], $0x4000, $0x38;
	[tilespmem:$0x1C080] =	vst v63  }
0x25: {  	_ =	swait.ge [sflag:s20], $0x4000  }
0x26: {  	[sflag:s20] =	ssyncset.done $0x0  }
0x27: {  	[sflag:s20] =	ssyncadd.s32 $0xFFFFC000  }
0x28: {  	[tilespmem:s21], [sflag:$0x1] =	stream.linear.gather [spmem:s7], $0x4000, $0x38;
	[tilespmem:$0x1C080] =	vst v63  }
0x29: {  	_ =	swait.ge [sflag:s20], $0x4000  }
0x2a: {  	[sflag:s20] =	ssyncset.done $0x0  }
0x2b: {  	[sflag:s20] =	ssyncadd.s32 $0xFFFFC000  }
0x2c: {  	[hbm4b:s12+s3] =	stream.linear.scatter [tilespmem:s21], [sflag:$0x1], $0x4000, $0x38;
	[tilespmem:$0x1C080] =	vst v63  }
0x2d: {  	_ =	swait.ge [sflag:s20], $0x4000  }
0x2e: {  	[sflag:s20] =	ssyncset.done $0x0  }
0x2f: {  	[sflag:s20] =	ssyncadd.s32 $0xFFFFC000  }
0x30: {  	[tilespmem:s21], [sflag:$0x1] =	stream.linear.gather [spmem:s8], $0x4000, $0x38;
	[tilespmem:$0x1C080] =	vst v63  }
0x31: {  	_ =	swait.ge [sflag:s20], $0x4000  }
0x32: {  	[sflag:s20] =	ssyncset.done $0x0  }
0x33: {  	[sflag:s20] =	ssyncadd.s32 $0xFFFFC000  }
0x34: {  	[hbm4b:s13+s3] =	stream.linear.scatter [tilespmem:s21], [sflag:$0x1], $0x4000, $0x38;
	[tilespmem:$0x1C080] =	vst v63  }
0x35: {  	_ =	swait.ge [sflag:s20], $0x4000  }
0x36: {  	[sflag:s20] =	ssyncset.done $0x0  }
0x37: {  	[sflag:s20] =	ssyncadd.s32 $0xFFFFC000  }
0x38: {  	[tilespmem:s21], [sflag:$0x1] =	stream.linear.gather [spmem:s9], $0x4000, $0x38;
	[tilespmem:$0x1C080] =	vst v63  }
0x39: {  	_ =	swait.ge [sflag:s20], $0x4000  }
0x3a: {  	[sflag:s20] =	ssyncset.done $0x0  }
0x3b: {  	[sflag:s20] =	ssyncadd.s32 $0xFFFFC000  }
0x3c: {  	[hbm4b:s14+s3] =	stream.linear.scatter [tilespmem:s21], [sflag:$0x1], $0x4000, $0x38;
	[tilespmem:$0x1C080] =	vst v63  }
0x3d: {  	_ =	swait.ge [sflag:s20], $0x4000  }
0x3e: {  	[sflag:s20] =	ssyncset.done $0x0  }
0x3f: {  	[sflag:s20] =	ssyncadd.s32 $0xFFFFC000  }
0x40: {  	[tilespmem:s21], [sflag:$0x1] =	stream.linear.gather [spmem:s10], $0x4000, $0x38;
	[tilespmem:$0x1C080] =	vst v63  }
0x41: {  	s22 =	sadd.s32 $0x1, s22;
	_ =	swait.ge [sflag:s20], $0x4000  }
0x42: {  	p1 =	sne.s32 s22, s16;
	[sflag:s20] =	ssyncset.done $0x0  }
.Ltmp1:
0x43: {  	[sflag:s20] =	ssyncadd.s32 $0xFFFFC000;
	(pc) =	sbr.rel @!p1 .LBB2_9-.Ltmp1, $4  }
0x44: {  	[hbm4b:s15+s3] =	stream.linear.scatter [tilespmem:s21], [sflag:$0x1], $0x4000, $0x38;
	[tilespmem:$0x1C080] =	vst v63  }
0x45: {  	_ =	swait.ge [sflag:s20], $0x4000  }
0x46: {  	[sflag:s20] =	ssyncset.done $0x0  }
0x47: {  	[sflag:s20] =	ssyncadd.s32 $0xFFFFC000  }
.LBB2_1:
0x48: {  	[tilespmem:s19], [sflag:$0x1] =	stream.linear.gather [hbm4b:s4+s3], $0x4000, $0x38;
	[tilespmem:$0x1C080] =	vst v63  }
0x49: {  	_ =	swait.ge [sflag:s20], $0x4000  }
0x4a: {  	[sflag:s20] =	ssyncset.done $0x0  }
0x4b: {  	[sflag:s20] =	ssyncadd.s32 $0xFFFFC000  }
0x4c: {  	[tilespmem:s21], [sflag:$0x1] =	stream.linear.gather [hbm4b:s5+s3], $0x4000, $0x38;
	[tilespmem:$0x1C080] =	vst v63  }
0x4d: {  	_ =	swait.ge [sflag:s20], $0x4000  }
0x4e: {  	[sflag:s20] =	ssyncset.done $0x0  }
0x4f: {  	[sflag:s20] =	ssyncadd.s32 $0xFFFFC000  }
0x50: {  	[spmem:s6] =	stream.linear.scatter [tilespmem:s21], [sflag:$0x1], $0x4000, $0x38;
	[tilespmem:$0x1C080] =	vst v63  }
0x51: {  	_ =	swait.ge [sflag:s20], $0x4000  }
0x52: {  	[sflag:s20] =	ssyncset.done $0x0  }
0x53: {  	[sflag:s20] =	ssyncadd.s32 $0xFFFFC000  }
0x54: {  	[spmem:s7] =	stream.linear.scatter [tilespmem:s21], [sflag:$0x1], $0x4000, $0x38;
	[tilespmem:$0x1C080] =	vst v63  }
0x55: {  	_ =	swait.ge [sflag:s20], $0x4000  }
0x56: {  	[sflag:s20] =	ssyncset.done $0x0  }
0x57: {  	[sflag:s20] =	ssyncadd.s32 $0xFFFFC000  }
0x58: {  	[spmem:s8] =	stream.linear.scatter [tilespmem:s21], [sflag:$0x1], $0x4000, $0x38;
	[tilespmem:$0x1C080] =	vst v63  }
0x59: {  	_ =	swait.ge [sflag:s20], $0x4000  }
0x5a: {  	[sflag:s20] =	ssyncset.done $0x0  }
0x5b: {  	[sflag:s20] =	ssyncadd.s32 $0xFFFFC000  }
0x5c: {  	[spmem:s9] =	stream.linear.scatter [tilespmem:s21], [sflag:$0x1], $0x4000, $0x38;
	[tilespmem:$0x1C080] =	vst v63  }
0x5d: {  	_ =	swait.ge [sflag:s20], $0x4000  }
0x5e: {  	[sflag:s20] =	ssyncset.done $0x0  }
0x5f: {  	[sflag:s20] =	ssyncadd.s32 $0xFFFFC000  }
0x60: {  	[spmem:s10] =	stream.linear.scatter [tilespmem:s21], [sflag:$0x1], $0x4000, $0x38;
	[tilespmem:$0x1C080] =	vst v63  }
.Ltmp2:
0x61: {  	_ =	swait.ge [sflag:s20], $0x4000;
	(pc) =	sbr.rel @!p0 .LBB2_2-.Ltmp2, $3  }
0x62: {  	[sflag:s20] =	ssyncset.done $0x0  }
0x63: {  	[sflag:s20] =	ssyncadd.s32 $0xFFFFC000  }
0x64: {  	[bflag:$0x0] =	sbarrier.arrive $0xFFFF;
	_ =	sdelay $0x1  }
0x65: {  	s23 =	sadd.s32 $0x0, s18  }
0x66: {  	[tilespmem:s3], [sflag:$0x1] =	stream.linear.gather [hbm4b:s23+s3], $0x80, $0x38;
	[tilespmem:$0x1C080] =	vst v63  }
0x67: {  	_ =	swait.ge [sflag:s20], $0x80  }
0x68: {  	[sflag:s20] =	ssyncset.done $0x0  }
0x69: {  	[sflag:s20] =	ssyncadd.s32 $0xFFFFFF80  }
0x6a: {  	[spmem:s2] =	stream.indirect.scatter.add.f32 [tilespmem:s19], [sflag:$0x1], $0x80, s3, s19, $0xb8;
	[tilespmem:$0x1C080] =	vst v63  }
0x6b: {  	_ =	swait.ge [sflag:s20], $0x4000  }
0x6c: {  	s24 =	simm.s32 $0x20;
	s23 =	simm.s32 $0x10;
	[sflag:s20] =	ssyncset.done $0x0  }
.LBB2_6:
0x6d: {  	s25 =	sadd.s32 s23, s18  }
0x6e: {  	[sflag:s20] =	ssyncadd.s32 $0xFFFFC000;
	s23 =	smov.u32 s24;
	s26 =	sadd.s32 $0x10, s24  }
0x6f: {  	[tilespmem:s3], [sflag:$0x1] =	stream.linear.gather [hbm4b:s25+s3], $0x80, $0x38;
	[tilespmem:$0x1C080] =	vst v63  }
0x70: {  	p1 =	sne.s32 s24, $0x9D0;
	_ =	swait.ge [sflag:s20], $0x80  }
.Ltmp3:
0x71: {  	[sflag:s20] =	ssyncset.done $0x0;
	(pc) =	sbr.rel @p1 .LBB2_6-.Ltmp3, $4  }
0x72: {  	[sflag:s20] =	ssyncadd.s32 $0xFFFFFF80  }
0x73: {  	[spmem:s2] =	stream.indirect.scatter.add.f32 [tilespmem:s19], [sflag:$0x1], $0x80, s3, s19, $0xb8;
	[tilespmem:$0x1C080] =	vst v63  }
0x74: {  	_ =	swait.ge [sflag:s20], $0x4000  }
0x75: {  	s24 =	smov.u32 s26;
	[sflag:s20] =	ssyncset.done $0x0  }
.Ltmp4:
0x76: {  	_ = 	snop;
	(pc) =	sbr.rel .LBB2_7-.Ltmp4, $1  }
0x77: {  	_ =	sdelay $0x3  }
.LBB2_2:
0x78: {  	s23 =	sadd.s32 $0x0, s17  }
0x79: {  	[tilespmem:s3], [sflag:$0x1] =	stream.linear.gather [hbm4b:s23+s3], $0x80, $0x38;
	[tilespmem:$0x1C080] =	vst v63  }
0x7a: {  	_ =	swait.ge [sflag:s20], $0x80  }
0x7b: {  	[sflag:s20] =	ssyncset.done $0x0  }
0x7c: {  	[sflag:s20] =	ssyncadd.s32 $0xFFFFFF80  }
0x7d: {  	[spmem:s2] =	stream.indirect.scatter.add.f32 [tilespmem:s19], [sflag:$0x1], $0x80, s3, s19, $0xb8;
	[tilespmem:$0x1C080] =	vst v63  }
0x7e: {  	_ =	swait.ge [sflag:s20], $0x4000  }
0x7f: {  	s24 =	simm.s32 $0x20;
	s23 =	simm.s32 $0x10;
	[sflag:s20] =	ssyncset.done $0x0  }
.LBB2_3:
0x80: {  	s25 =	sadd.s32 s23, s17  }
0x81: {  	[sflag:s20] =	ssyncadd.s32 $0xFFFFC000;
	s23 =	smov.u32 s24;
	s26 =	sadd.s32 $0x10, s24  }
0x82: {  	[tilespmem:s3], [sflag:$0x1] =	stream.linear.gather [hbm4b:s25+s3], $0x80, $0x38;
	[tilespmem:$0x1C080] =	vst v63  }
0x83: {  	p1 =	seq.s32 s24, $0x9D0;
	_ =	swait.ge [sflag:s20], $0x80  }
.Ltmp5:
0x84: {  	[sflag:s20] =	ssyncset.done $0x0;
	(pc) =	sbr.rel @!p1 .LBB2_3-.Ltmp5, $4  }
0x85: {  	[sflag:s20] =	ssyncadd.s32 $0xFFFFFF80  }
0x86: {  	[spmem:s2] =	stream.indirect.scatter.add.f32 [tilespmem:s19], [sflag:$0x1], $0x80, s3, s19, $0xb8;
	[tilespmem:$0x1C080] =	vst v63  }
0x87: {  	_ =	swait.ge [sflag:s20], $0x4000  }
0x88: {  	s24 =	smov.u32 s26;
	[sflag:s20] =	ssyncset.done $0x0  }
0x89: {  	s23 =	sadd.s32 s23, s17;
	[sflag:s20] =	ssyncadd.s32 $0xFFFFC000  }
0x8a: {  	[tilespmem:s3], [sflag:$0x1] =	stream.linear.gather [hbm4b:s23+s3], $0x80, $0x38;
	[tilespmem:$0x1C080] =	vst v63  }
0x8b: {  	_ =	swait.ge [sflag:s20], $0x80  }
0x8c: {  	[sflag:s20] =	ssyncset.done $0x0  }
.Ltmp6:
0x8d: {  	[sflag:s20] =	ssyncadd.s32 $0xFFFFFF80;
	(pc) =	sbr.rel .LBB2_8-.Ltmp6, $4  }
0x8e: {  	[spmem:s2] =	stream.indirect.scatter.add.f32 [tilespmem:s19], [sflag:$0x1], $0x80, s3, s19, $0xb8;
	[tilespmem:$0x1C080] =	vst v63  }
0x8f: {  	_ =	swait.ge [sflag:s20], $0x4000  }
0x90: {  	[sflag:s20] =	ssyncset.done $0x0  }
0x91: {  	[sflag:s20] =	ssyncadd.s32 $0xFFFFC000  }
.LBB2_9:
0x92: {  	_ =	sfence.sel $0x180000  }
0x93: {  	[bflag:$0x0] =	sbarrier.arrive $0xFFFF  }
0x94: {  	p0 =	sne.s32 s1, $0x0;
	_ =	strace $0x90000047  }
0x95: {  	s0 =	sadd.s32 @!p0 $0x100000, s0;
	[bflag:$0x2] =	sbarrier.arrive $0xFFFF  }
0x96: {  	[sflag:s0] =	ssyncadd.tile.s32 @!p0 $0x1;
	_ =	shalt  }
.Lfunc_end2:
_tile_overlayer_lowered:
.L_overlay_start_2:
0x97: {  	(tag) =	ssettag $0x2  }
0x98: {  	s0 =	rddreg [dreg:$0x0];
	s2 =	stileid.u32  }
0x99: {  	s1 =	rddreg [dreg:$0x1];
	p0 =	sne.s32 s2, $0x0  }
0x9a: {  	s3 =	rddreg [dreg:$0x2];
	[bflag:$0x3] =	sbarrier.arrive $0xFFFF;
	s2 =	simm.s32 @!p0 $0x1C01  }
0x9b: {  	[timem:s3], [sflag:s2] =	dma.local @!p0 [hbm:s0], s1  }
0x9c: {  	s0 =	simm.s32 @!p0 $0x1  }
0x9d: {  	_ =	swait.ge @!p0 [sflag:s0], s1  }
0x9e: {  	s1 =	ssub.s32 @!p0 $0x0, s1;
	[sflag:s0] =	ssyncset.done @!p0 $0x0  }
0x9f: {  	[sflag:s0] =	ssyncadd.s32 @!p0 s1  }
0xa0: {  	[bflag:$0x3] =	sbarrier.arrive $0xFFFF  }
0xa1: {  	_ =	shalt  }

</sc_bundles>
